<compile_context>
chip_gen: v7x
topology: tpu7x:2x2x1
jax: 0.10.2.dev20260603
libtpu: 0.0.44.dev20260713+nightly
codegen_flags: <defaults>
</compile_context>

<pallas_src>
import functools

import jax
import jax.numpy as jnp
from jax import lax
from jax.experimental import pallas as pl
from jax.experimental.pallas import tpu as pltpu
from jax.experimental.pallas import tpu_sc as plsc

F = 26
E = 16
EOD = F * E
EPS = 1e-5


def _tc_flatten_body(t_ref, o_ref):
    nr = o_ref.shape[0]
    tt = t_ref[:].T.reshape(nr, 8, E)
    for s in range(8):
        o_ref[:, E * s:E * (s + 1)] = tt[:, s, :]


def _tc_flatten(embT, cols):
    v = embT.shape[1]
    nr = cols * E // 128
    return pl.pallas_call(
        _tc_flatten_body,
        grid=(pl.cdiv(v, cols),),
        in_specs=[pl.BlockSpec((E, cols), lambda i: (0, i))],
        out_specs=pl.BlockSpec((nr, 128), lambda i: (i, 0)),
        out_shape=jax.ShapeDtypeStruct((v * E // 128, 128), jnp.float32),
        compiler_params=pltpu.CompilerParams(
            dimension_semantics=("parallel",),
        ),
    )(embT)


def _sc_gather(xi, emb_table, lin_flat):
    info = plsc.get_sparse_core_info()
    nc, ns = info.num_cores, info.num_subcores
    nw = nc * ns
    bf = xi.shape[0]
    per_w = bf // nw
    nch = 4
    ch = per_w // nch
    mesh = plsc.VectorSubcoreMesh(core_axis_name="c", subcore_axis_name="s")

    @functools.partial(
        pl.kernel,
        mesh=mesh,
        out_type=(
            jax.ShapeDtypeStruct((bf, E), jnp.float32),
            jax.ShapeDtypeStruct((bf,), jnp.float32),
        ),
        scratch_types=[
            pltpu.VMEM((ch,), jnp.int32),
            pltpu.VMEM((ch, E), jnp.float32),
            pltpu.VMEM((ch,), jnp.float32),
            pltpu.SemaphoreType.DMA,
            pltpu.SemaphoreType.DMA,
        ],
        compiler_params=pltpu.CompilerParams(use_tc_tiling_on_sc=False),
    )
    def k(xi_hbm, emb_hbm, lin_hbm, out_e, out_l, idx_v, rows_v, lin_v, sem1, sem2):
        wid = lax.axis_index("s") * nc + lax.axis_index("c")
        base = wid * per_w
        for c in range(nch):
            off = base + c * ch
            pltpu.sync_copy(xi_hbm.at[pl.ds(off, ch)], idx_v)
            d1 = pltpu.async_copy(emb_hbm.at[idx_v], rows_v, sem1)
            d2 = pltpu.async_copy(lin_hbm.at[idx_v], lin_v, sem2)
            d1.wait()
            d2.wait()
            pltpu.sync_copy(rows_v, out_e.at[pl.ds(off, ch)])
            pltpu.sync_copy(lin_v, out_l.at[pl.ds(off, ch)])

    return k(xi, emb_table, lin_flat)


def _dense_body(g_ref, ling_ref, s0_ref, t0_ref, cw_ref, cb_ref, sexp_ref,
                w1_ref, c1_ref, w2_ref, c2_ref, w3_ref, b3_ref, lb_ref, o_ref):
    flat = g_ref[:] * s0_ref[:] + t0_ref[:]
    h = jnp.dot(flat, cw_ref[:], preferred_element_type=jnp.float32) + cb_ref[:]
    h = jnp.maximum(h, 0.0)
    m = jnp.max(h, axis=1, keepdims=True)
    p = jnp.exp(h - m)
    w = p / jnp.sum(p, axis=1, keepdims=True)
    z = flat * jnp.dot(w, sexp_ref[:], preferred_element_type=jnp.float32)
    a = jnp.dot(z, w1_ref[:], preferred_element_type=jnp.float32) + c1_ref[:]
    a = jnp.maximum(a, 0.0)
    a = jnp.dot(a, w2_ref[:], preferred_element_type=jnp.float32) + c2_ref[:]
    a = jnp.maximum(a, 0.0)
    zz = jnp.dot(a, w3_ref[:], preferred_element_type=jnp.float32) + b3_ref[:]
    lin = jnp.sum(ling_ref[:], axis=1, keepdims=True) + lb_ref[:]
    o_ref[:] = jax.nn.sigmoid(lin + zz)


def _dense_call(g, ling, s0, t0, cw, cb, sexp, w1, c1, w2, c2, w3, b3, lb, bm):
    b = g.shape[0]
    grid = (b // bm,)
    full = lambda shape: pl.BlockSpec(shape, lambda i: (0, 0))
    return pl.pallas_call(
        _dense_body,
        grid=grid,
        in_specs=[
            pl.BlockSpec((bm, EOD), lambda i: (i, 0)),
            pl.BlockSpec((bm, F), lambda i: (i, 0)),
            full((1, EOD)),
            full((1, EOD)),
            full((EOD, F)),
            full((1, F)),
            full((F, EOD)),
            full((EOD, 256)),
            full((1, 256)),
            full((256, 128)),
            full((1, 128)),
            full((128, 1)),
            full((1, 1)),
            full((1, 1)),
        ],
        out_specs=pl.BlockSpec((bm, 1), lambda i: (i, 0)),
        out_shape=jax.ShapeDtypeStruct((b, 1), jnp.float32),
        compiler_params=pltpu.CompilerParams(
            dimension_semantics=("arbitrary",),
        ),
    )(g, ling, s0, t0, cw, cb, sexp, w1, c1, w2, c2, w3, b3, lb)


def kernel(x, emb_table, lin_table, lin_bias, bn0_g, bn0_b, ctrl_W, ctrl_b,
           ctrl_bn_g, ctrl_bn_b, W1, b1, bn1_g, bn1_b, W2, b2, bn2_g, bn2_b,
           W3, b3):
    b = x.shape[0]
    inv = 1.0 / jnp.sqrt(jnp.float32(1.0 + EPS))
    offsets = (jnp.arange(F, dtype=x.dtype) * 100000)[None, :]
    xi = (x + offsets).reshape(-1)

    flat2d = _tc_flatten(emb_table.T, cols=20480)
    tbl = flat2d.reshape(-1).reshape(-1, E)
    emb_g, lin_g = _sc_gather(xi, tbl, lax.squeeze(lin_table, (1,)))
    g = emb_g.reshape(b, EOD)
    ling = lin_g.reshape(b, F)

    s0 = jnp.repeat(bn0_g * inv, E)[None, :]
    t0 = jnp.repeat(bn0_b, E)[None, :]
    cs = ctrl_bn_g * inv
    cw = ctrl_W * cs[None, :]
    cb = (ctrl_b * cs + ctrl_bn_b)[None, :]
    sexp = jnp.kron(jnp.eye(F, dtype=jnp.float32), jnp.ones((1, E), jnp.float32))
    s1 = bn1_g * inv
    w1 = W1 * s1[None, :]
    c1 = (b1 * s1 + bn1_b)[None, :]
    s2 = bn2_g * inv
    w2 = W2 * s2[None, :]
    c2 = (b2 * s2 + bn2_b)[None, :]

    out = _dense_call(g, ling, s0, t0, cw, cb, sexp, w1, c1, w2, c2, W3,
                      b3[None, :], lin_bias[None, :], bm=1024)
    return out.reshape(b)

# --- scband reference (transcript-rebuilt; emitter-appended) ---
"""Pipeline reference for scband-wide-and-deep-model-controller-5677946765431 (READ-ONLY COPY).

The authoritative reference and input builder live on the scoring server;
editing this copy changes nothing except your own understanding.
"""

import jax, jax.numpy as jnp
import numpy as np

FIELD_DIMS = [100000] * 26
EMBED_DIM = 16
MLP_DIMS = [256, 128]
B = 16384
F = len(FIELD_DIMS)
TOTAL = sum(FIELD_DIMS)
EOD = F * EMBED_DIM
EPS = 1e-5


def _bn_eval(x, g, b):
    # BatchNorm eval mode with running_mean=0, running_var=1
    return x / jnp.sqrt(1.0 + EPS) * g + b


def setup_inputs(seed: int = 0):
    key = jax.random.key(seed)
    ks = jax.random.split(key, 8)
    inp = {}
    inp["x"] = jax.random.randint(ks[0], (B, F), 0, FIELD_DIMS[0], dtype=jnp.int32)
    inp["emb_table"] = (jax.random.normal(ks[1], (TOTAL, EMBED_DIM), dtype=jnp.float32) * 0.01)
    inp["lin_table"] = (jax.random.normal(ks[2], (TOTAL, 1), dtype=jnp.float32) * 0.01)
    inp["lin_bias"] = jnp.zeros((1,), dtype=jnp.float32)
    inp["bn0_g"] = jnp.ones((F,), dtype=jnp.float32)
    inp["bn0_b"] = jnp.zeros((F,), dtype=jnp.float32)
    inp["ctrl_W"] = (jax.random.normal(ks[3], (EOD, F), dtype=jnp.float32) / np.sqrt(EOD)).astype(jnp.float32)
    inp["ctrl_b"] = jnp.zeros((F,), dtype=jnp.float32)
    inp["ctrl_bn_g"] = jnp.ones((F,), dtype=jnp.float32)
    inp["ctrl_bn_b"] = jnp.zeros((F,), dtype=jnp.float32)
    inp["W1"] = (jax.random.normal(ks[4], (EOD, MLP_DIMS[0]), dtype=jnp.float32) / np.sqrt(EOD)).astype(jnp.float32)
    inp["b1"] = jnp.zeros((MLP_DIMS[0],), dtype=jnp.float32)
    inp["bn1_g"] = jnp.ones((MLP_DIMS[0],), dtype=jnp.float32)
    inp["bn1_b"] = jnp.zeros((MLP_DIMS[0],), dtype=jnp.float32)
    inp["W2"] = (jax.random.normal(ks[5], (MLP_DIMS[0], MLP_DIMS[1]), dtype=jnp.float32) / np.sqrt(MLP_DIMS[0])).astype(jnp.float32)
    inp["b2"] = jnp.zeros((MLP_DIMS[1],), dtype=jnp.float32)
    inp["bn2_g"] = jnp.ones((MLP_DIMS[1],), dtype=jnp.float32)
    inp["bn2_b"] = jnp.zeros((MLP_DIMS[1],), dtype=jnp.float32)
    inp["W3"] = (jax.random.normal(ks[6], (MLP_DIMS[1], 1), dtype=jnp.float32) / np.sqrt(MLP_DIMS[1])).astype(jnp.float32)
    inp["b3"] = jnp.zeros((1,), dtype=jnp.float32)
    return inp


def reference(x, emb_table, lin_table, lin_bias, bn0_g, bn0_b, ctrl_W, ctrl_b, ctrl_bn_g, ctrl_bn_b, W1, b1, bn1_g, bn1_b, W2, b2, bn2_g, bn2_b, W3, b3):
    offsets = jnp.asarray(np.concatenate([[0], np.cumsum(FIELD_DIMS)[:-1]]), dtype=x.dtype)
    xi = x + offsets[None, :]
    # FeaturesEmbedding: gather (B, F, E)
    e = jnp.take(emb_table, xi, axis=0)
    # BatchNorm1d(F) over 3D input, eval mode
    e = _bn_eval(e, bn0_g[None, :, None], bn0_b[None, :, None])
    # controller: flatten -> Linear -> BN -> ReLU -> (Dropout=id) -> softmax over fields
    flat = e.reshape(e.shape[0], -1)
    h = flat @ ctrl_W + ctrl_b
    h = _bn_eval(h, ctrl_bn_g, ctrl_bn_b)
    h = jax.nn.relu(h)
    weight = jax.nn.softmax(h, axis=1)
    e = e * weight[:, :, None]
    # FeaturesLinear: per-feature scalar embedding, sum over fields + bias
    lin = jnp.sum(jnp.take(lin_table, xi, axis=0), axis=1) + lin_bias  # (B, 1)
    # MultiLayerPerceptron on flattened weighted embeddings
    z = e.reshape(e.shape[0], -1)
    z = jax.nn.relu(_bn_eval(z @ W1 + b1, bn1_g, bn1_b))
    z = jax.nn.relu(_bn_eval(z @ W2 + b2, bn2_g, bn2_b))
    z = z @ W3 + b3  # (B, 1)
    out = jax.nn.sigmoid(jnp.squeeze(lin + z, axis=1))
    return out

if __name__ == "__main__":
    import jax
    _d = setup_inputs()
    print(jax.jit(kernel)(*tuple(_d.values())))

</pallas_src>

<mosaic_0001>
#map = affine_map<(d0, d1) -> (0)>
#map1 = affine_map<(d0, d1) -> (0, 0)>
module attributes {stable_mosaic.version = 14 : i64} {
  func.func @k(%arg0: i32, %arg1: i32, %arg2: memref<425984xi32, #tpu.memory_space<hbm>>, %arg3: memref<2600000x16xf32, #tpu.memory_space<hbm>>, %arg4: memref<2600000xf32, #tpu.memory_space<hbm>>, %arg5: memref<425984x16xf32, #tpu.memory_space<hbm>>, %arg6: memref<425984xf32, #tpu.memory_space<hbm>>, %arg7: memref<3328xi32, #tpu.memory_space<vmem>>, %arg8: memref<3328x16xf32, #tpu.memory_space<vmem>>, %arg9: memref<3328xf32, #tpu.memory_space<vmem>>, %arg10: memref<!tpu.dma_semaphore, #tpu.memory_space<semaphore_mem>>, %arg11: memref<!tpu.dma_semaphore, #tpu.memory_space<semaphore_mem>>) attributes {dimension_semantics = [#tpu.dimension_semantics<core_parallel>, #tpu.dimension_semantics<subcore_parallel>], iteration_bounds = array<i64: 2, 16>, scalar_prefetch = 0 : i64, scratch_operands = 5 : i64, tpu.core_type = #tpu.core_type<sc_vector_subcore>, window_params = [{transform_indices = #map}, {transform_indices = #map1}, {transform_indices = #map}, {transform_indices = #map1}, {transform_indices = #map}]} {
    %mul3A = arith.constant 2 : i32
    %mul3A_0 = arith.muli %arg1, %mul3A : i32
    %add3A = arith.addi %mul3A_0, %arg0 : i32
    %mul3A_1 = arith.constant 13312 : i32
    %mul3A_2 = arith.muli %add3A, %mul3A_1 : i32
    %add3A_3 = arith.constant 0 : i32
    %add3A_4 = arith.addi %mul3A_2, %add3A_3 : i32
    "tpu.region"() ({
      %run_scoped3A = tpu.sem_alloc : memref<!tpu.dma_semaphore, #tpu.memory_space<semaphore_mem>>
      %dma_start3A_49 = tpu.memref_slice %arg2[%add3A_4] : memref<425984xi32, #tpu.memory_space<hbm>> -> memref<3328xi32, #tpu.memory_space<hbm>>
      %dma_start3A_50 = tpu.memref_slice %arg2[%add3A_4] : memref<425984xi32, #tpu.memory_space<hbm>> -> memref<3328xi32, #tpu.memory_space<hbm>>
      tpu.enqueue_dma source(%dma_start3A_50 : memref<3328xi32, #tpu.memory_space<hbm>>) target(%arg7 : memref<3328xi32, #tpu.memory_space<vmem>>) target_semaphore(%run_scoped3A : memref<!tpu.dma_semaphore, #tpu.memory_space<semaphore_mem>>)
      %dma_wait3A_51 = tpu.memref_slice %arg2[%add3A_4] : memref<425984xi32, #tpu.memory_space<hbm>> -> memref<3328xi32, #tpu.memory_space<hbm>>
      %dma_wait3A_52 = tpu.memref_slice %arg2[%add3A_4] : memref<425984xi32, #tpu.memory_space<hbm>> -> memref<3328xi32, #tpu.memory_space<hbm>>
      tpu.wait_dma2 semaphore(%run_scoped3A : memref<!tpu.dma_semaphore, #tpu.memory_space<semaphore_mem>>) src(%dma_wait3A_52 : memref<3328xi32, #tpu.memory_space<hbm>>) dst(%arg7 : memref<3328xi32, #tpu.memory_space<vmem>>)
      tpu.yield
    }) : () -> ()
    %dma_start3A = arith.constant 0 : i32
    %dma_start3A_5 = arith.constant 0 : i32
    %dma_start3A_6 = tpu.memref_slice %arg3[%dma_start3A, %dma_start3A_5] : memref<2600000x16xf32, #tpu.memory_space<hbm>> -> memref<2600000x16xf32, #tpu.memory_space<hbm>>
    tpu.enqueue_indirect_dma source(%dma_start3A_6 : memref<2600000x16xf32, #tpu.memory_space<hbm>>) target(%arg8 : memref<3328x16xf32, #tpu.memory_space<vmem>>) offsets(%arg7 : memref<3328xi32, #tpu.memory_space<vmem>>) semaphore(%arg10 : memref<!tpu.dma_semaphore, #tpu.memory_space<semaphore_mem>>)
    %dma_start3A_7 = arith.constant 0 : i32
    %dma_start3A_8 = tpu.memref_slice %arg4[%dma_start3A_7] : memref<2600000xf32, #tpu.memory_space<hbm>> -> memref<2600000xf32, #tpu.memory_space<hbm>>
    tpu.enqueue_indirect_dma source(%dma_start3A_8 : memref<2600000xf32, #tpu.memory_space<hbm>>) target(%arg9 : memref<3328xf32, #tpu.memory_space<vmem>>) offsets(%arg7 : memref<3328xi32, #tpu.memory_space<vmem>>) semaphore(%arg11 : memref<!tpu.dma_semaphore, #tpu.memory_space<semaphore_mem>>)
    %dma_wait3A = arith.constant 0 : i32
    %dma_wait3A_9 = arith.constant 0 : i32
    %dma_wait3A_10 = tpu.memref_slice %arg3[%dma_wait3A, %dma_wait3A_9] : memref<2600000x16xf32, #tpu.memory_space<hbm>> -> memref<2600000x16xf32, #tpu.memory_space<hbm>>
    tpu.wait_indirect_dma semaphore(%arg10 : memref<!tpu.dma_semaphore, #tpu.memory_space<semaphore_mem>>) src(%dma_wait3A_10 : memref<2600000x16xf32, #tpu.memory_space<hbm>>) dst(%arg8 : memref<3328x16xf32, #tpu.memory_space<vmem>>)
    %dma_wait3A_11 = arith.constant 0 : i32
    %dma_wait3A_12 = tpu.memref_slice %arg4[%dma_wait3A_11] : memref<2600000xf32, #tpu.memory_space<hbm>> -> memref<2600000xf32, #tpu.memory_space<hbm>>
    tpu.wait_indirect_dma semaphore(%arg11 : memref<!tpu.dma_semaphore, #tpu.memory_space<semaphore_mem>>) src(%dma_wait3A_12 : memref<2600000xf32, #tpu.memory_space<hbm>>) dst(%arg9 : memref<3328xf32, #tpu.memory_space<vmem>>)
    "tpu.region"() ({
      %run_scoped3A = tpu.sem_alloc : memref<!tpu.dma_semaphore, #tpu.memory_space<semaphore_mem>>
      %dma_start3A_49 = arith.constant 0 : i32
      %dma_start3A_50 = tpu.memref_slice %arg5[%add3A_4, %dma_start3A_49] : memref<425984x16xf32, #tpu.memory_space<hbm>> -> memref<3328x16xf32, #tpu.memory_space<hbm>>
      %dma_start3A_51 = arith.constant 0 : i32
      %dma_start3A_52 = tpu.memref_slice %arg5[%add3A_4, %dma_start3A_51] : memref<425984x16xf32, #tpu.memory_space<hbm>> -> memref<3328x16xf32, #tpu.memory_space<hbm>>
      tpu.enqueue_dma source(%arg8 : memref<3328x16xf32, #tpu.memory_space<vmem>>) target(%dma_start3A_52 : memref<3328x16xf32, #tpu.memory_space<hbm>>) target_semaphore(%run_scoped3A : memref<!tpu.dma_semaphore, #tpu.memory_space<semaphore_mem>>)
      %dma_wait3A_53 = arith.constant 0 : i32
      %dma_wait3A_54 = tpu.memref_slice %arg5[%add3A_4, %dma_wait3A_53] : memref<425984x16xf32, #tpu.memory_space<hbm>> -> memref<3328x16xf32, #tpu.memory_space<hbm>>
      %dma_wait3A_55 = arith.constant 0 : i32
      %dma_wait3A_56 = tpu.memref_slice %arg5[%add3A_4, %dma_wait3A_55] : memref<425984x16xf32, #tpu.memory_space<hbm>> -> memref<3328x16xf32, #tpu.memory_space<hbm>>
      tpu.wait_dma2 semaphore(%run_scoped3A : memref<!tpu.dma_semaphore, #tpu.memory_space<semaphore_mem>>) src(%arg8 : memref<3328x16xf32, #tpu.memory_space<vmem>>) dst(%dma_wait3A_56 : memref<3328x16xf32, #tpu.memory_space<hbm>>)
      tpu.yield
    }) : () -> ()
    "tpu.region"() ({
      %run_scoped3A = tpu.sem_alloc : memref<!tpu.dma_semaphore, #tpu.memory_space<semaphore_mem>>
      %dma_start3A_49 = tpu.memref_slice %arg6[%add3A_4] : memref<425984xf32, #tpu.memory_space<hbm>> -> memref<3328xf32, #tpu.memory_space<hbm>>
      %dma_start3A_50 = tpu.memref_slice %arg6[%add3A_4] : memref<425984xf32, #tpu.memory_space<hbm>> -> memref<3328xf32, #tpu.memory_space<hbm>>
      tpu.enqueue_dma source(%arg9 : memref<3328xf32, #tpu.memory_space<vmem>>) target(%dma_start3A_50 : memref<3328xf32, #tpu.memory_space<hbm>>) target_semaphore(%run_scoped3A : memref<!tpu.dma_semaphore, #tpu.memory_space<semaphore_mem>>)
      %dma_wait3A_51 = tpu.memref_slice %arg6[%add3A_4] : memref<425984xf32, #tpu.memory_space<hbm>> -> memref<3328xf32, #tpu.memory_space<hbm>>
      %dma_wait3A_52 = tpu.memref_slice %arg6[%add3A_4] : memref<425984xf32, #tpu.memory_space<hbm>> -> memref<3328xf32, #tpu.memory_space<hbm>>
      tpu.wait_dma2 semaphore(%run_scoped3A : memref<!tpu.dma_semaphore, #tpu.memory_space<semaphore_mem>>) src(%arg9 : memref<3328xf32, #tpu.memory_space<vmem>>) dst(%dma_wait3A_52 : memref<3328xf32, #tpu.memory_space<hbm>>)
      tpu.yield
    }) : () -> ()
    %add3A_13 = arith.constant 3328 : i32
    %add3A_14 = arith.addi %mul3A_2, %add3A_13 : i32
    "tpu.region"() ({
      %run_scoped3A = tpu.sem_alloc : memref<!tpu.dma_semaphore, #tpu.memory_space<semaphore_mem>>
      %dma_start3A_49 = tpu.memref_slice %arg2[%add3A_14] : memref<425984xi32, #tpu.memory_space<hbm>> -> memref<3328xi32, #tpu.memory_space<hbm>>
      %dma_start3A_50 = tpu.memref_slice %arg2[%add3A_14] : memref<425984xi32, #tpu.memory_space<hbm>> -> memref<3328xi32, #tpu.memory_space<hbm>>
      tpu.enqueue_dma source(%dma_start3A_50 : memref<3328xi32, #tpu.memory_space<hbm>>) target(%arg7 : memref<3328xi32, #tpu.memory_space<vmem>>) target_semaphore(%run_scoped3A : memref<!tpu.dma_semaphore, #tpu.memory_space<semaphore_mem>>)
      %dma_wait3A_51 = tpu.memref_slice %arg2[%add3A_14] : memref<425984xi32, #tpu.memory_space<hbm>> -> memref<3328xi32, #tpu.memory_space<hbm>>
      %dma_wait3A_52 = tpu.memref_slice %arg2[%add3A_14] : memref<425984xi32, #tpu.memory_space<hbm>> -> memref<3328xi32, #tpu.memory_space<hbm>>
      tpu.wait_dma2 semaphore(%run_scoped3A : memref<!tpu.dma_semaphore, #tpu.memory_space<semaphore_mem>>) src(%dma_wait3A_52 : memref<3328xi32, #tpu.memory_space<hbm>>) dst(%arg7 : memref<3328xi32, #tpu.memory_space<vmem>>)
      tpu.yield
    }) : () -> ()
    %dma_start3A_15 = arith.constant 0 : i32
    %dma_start3A_16 = arith.constant 0 : i32
    %dma_start3A_17 = tpu.memref_slice %arg3[%dma_start3A_15, %dma_start3A_16] : memref<2600000x16xf32, #tpu.memory_space<hbm>> -> memref<2600000x16xf32, #tpu.memory_space<hbm>>
    tpu.enqueue_indirect_dma source(%dma_start3A_17 : memref<2600000x16xf32, #tpu.memory_space<hbm>>) target(%arg8 : memref<3328x16xf32, #tpu.memory_space<vmem>>) offsets(%arg7 : memref<3328xi32, #tpu.memory_space<vmem>>) semaphore(%arg10 : memref<!tpu.dma_semaphore, #tpu.memory_space<semaphore_mem>>)
    %dma_start3A_18 = arith.constant 0 : i32
    %dma_start3A_19 = tpu.memref_slice %arg4[%dma_start3A_18] : memref<2600000xf32, #tpu.memory_space<hbm>> -> memref<2600000xf32, #tpu.memory_space<hbm>>
    tpu.enqueue_indirect_dma source(%dma_start3A_19 : memref<2600000xf32, #tpu.memory_space<hbm>>) target(%arg9 : memref<3328xf32, #tpu.memory_space<vmem>>) offsets(%arg7 : memref<3328xi32, #tpu.memory_space<vmem>>) semaphore(%arg11 : memref<!tpu.dma_semaphore, #tpu.memory_space<semaphore_mem>>)
    %dma_wait3A_20 = arith.constant 0 : i32
    %dma_wait3A_21 = arith.constant 0 : i32
    %dma_wait3A_22 = tpu.memref_slice %arg3[%dma_wait3A_20, %dma_wait3A_21] : memref<2600000x16xf32, #tpu.memory_space<hbm>> -> memref<2600000x16xf32, #tpu.memory_space<hbm>>
    tpu.wait_indirect_dma semaphore(%arg10 : memref<!tpu.dma_semaphore, #tpu.memory_space<semaphore_mem>>) src(%dma_wait3A_22 : memref<2600000x16xf32, #tpu.memory_space<hbm>>) dst(%arg8 : memref<3328x16xf32, #tpu.memory_space<vmem>>)
    %dma_wait3A_23 = arith.constant 0 : i32
    %dma_wait3A_24 = tpu.memref_slice %arg4[%dma_wait3A_23] : memref<2600000xf32, #tpu.memory_space<hbm>> -> memref<2600000xf32, #tpu.memory_space<hbm>>
    tpu.wait_indirect_dma semaphore(%arg11 : memref<!tpu.dma_semaphore, #tpu.memory_space<semaphore_mem>>) src(%dma_wait3A_24 : memref<2600000xf32, #tpu.memory_space<hbm>>) dst(%arg9 : memref<3328xf32, #tpu.memory_space<vmem>>)
    "tpu.region"() ({
      %run_scoped3A = tpu.sem_alloc : memref<!tpu.dma_semaphore, #tpu.memory_space<semaphore_mem>>
      %dma_start3A_49 = arith.constant 0 : i32
      %dma_start3A_50 = tpu.memref_slice %arg5[%add3A_14, %dma_start3A_49] : memref<425984x16xf32, #tpu.memory_space<hbm>> -> memref<3328x16xf32, #tpu.memory_space<hbm>>
      %dma_start3A_51 = arith.constant 0 : i32
      %dma_start3A_52 = tpu.memref_slice %arg5[%add3A_14, %dma_start3A_51] : memref<425984x16xf32, #tpu.memory_space<hbm>> -> memref<3328x16xf32, #tpu.memory_space<hbm>>
      tpu.enqueue_dma source(%arg8 : memref<3328x16xf32, #tpu.memory_space<vmem>>) target(%dma_start3A_52 : memref<3328x16xf32, #tpu.memory_space<hbm>>) target_semaphore(%run_scoped3A : memref<!tpu.dma_semaphore, #tpu.memory_space<semaphore_mem>>)
      %dma_wait3A_53 = arith.constant 0 : i32
      %dma_wait3A_54 = tpu.memref_slice %arg5[%add3A_14, %dma_wait3A_53] : memref<425984x16xf32, #tpu.memory_space<hbm>> -> memref<3328x16xf32, #tpu.memory_space<hbm>>
      %dma_wait3A_55 = arith.constant 0 : i32
      %dma_wait3A_56 = tpu.memref_slice %arg5[%add3A_14, %dma_wait3A_55] : memref<425984x16xf32, #tpu.memory_space<hbm>> -> memref<3328x16xf32, #tpu.memory_space<hbm>>
      tpu.wait_dma2 semaphore(%run_scoped3A : memref<!tpu.dma_semaphore, #tpu.memory_space<semaphore_mem>>) src(%arg8 : memref<3328x16xf32, #tpu.memory_space<vmem>>) dst(%dma_wait3A_56 : memref<3328x16xf32, #tpu.memory_space<hbm>>)
      tpu.yield
    }) : () -> ()
    "tpu.region"() ({
      %run_scoped3A = tpu.sem_alloc : memref<!tpu.dma_semaphore, #tpu.memory_space<semaphore_mem>>
      %dma_start3A_49 = tpu.memref_slice %arg6[%add3A_14] : memref<425984xf32, #tpu.memory_space<hbm>> -> memref<3328xf32, #tpu.memory_space<hbm>>
      %dma_start3A_50 = tpu.memref_slice %arg6[%add3A_14] : memref<425984xf32, #tpu.memory_space<hbm>> -> memref<3328xf32, #tpu.memory_space<hbm>>
      tpu.enqueue_dma source(%arg9 : memref<3328xf32, #tpu.memory_space<vmem>>) target(%dma_start3A_50 : memref<3328xf32, #tpu.memory_space<hbm>>) target_semaphore(%run_scoped3A : memref<!tpu.dma_semaphore, #tpu.memory_space<semaphore_mem>>)
      %dma_wait3A_51 = tpu.memref_slice %arg6[%add3A_14] : memref<425984xf32, #tpu.memory_space<hbm>> -> memref<3328xf32, #tpu.memory_space<hbm>>
      %dma_wait3A_52 = tpu.memref_slice %arg6[%add3A_14] : memref<425984xf32, #tpu.memory_space<hbm>> -> memref<3328xf32, #tpu.memory_space<hbm>>
      tpu.wait_dma2 semaphore(%run_scoped3A : memref<!tpu.dma_semaphore, #tpu.memory_space<semaphore_mem>>) src(%arg9 : memref<3328xf32, #tpu.memory_space<vmem>>) dst(%dma_wait3A_52 : memref<3328xf32, #tpu.memory_space<hbm>>)
      tpu.yield
    }) : () -> ()
    %add3A_25 = arith.constant 6656 : i32
    %add3A_26 = arith.addi %mul3A_2, %add3A_25 : i32
    "tpu.region"() ({
      %run_scoped3A = tpu.sem_alloc : memref<!tpu.dma_semaphore, #tpu.memory_space<semaphore_mem>>
      %dma_start3A_49 = tpu.memref_slice %arg2[%add3A_26] : memref<425984xi32, #tpu.memory_space<hbm>> -> memref<3328xi32, #tpu.memory_space<hbm>>
      %dma_start3A_50 = tpu.memref_slice %arg2[%add3A_26] : memref<425984xi32, #tpu.memory_space<hbm>> -> memref<3328xi32, #tpu.memory_space<hbm>>
      tpu.enqueue_dma source(%dma_start3A_50 : memref<3328xi32, #tpu.memory_space<hbm>>) target(%arg7 : memref<3328xi32, #tpu.memory_space<vmem>>) target_semaphore(%run_scoped3A : memref<!tpu.dma_semaphore, #tpu.memory_space<semaphore_mem>>)
      %dma_wait3A_51 = tpu.memref_slice %arg2[%add3A_26] : memref<425984xi32, #tpu.memory_space<hbm>> -> memref<3328xi32, #tpu.memory_space<hbm>>
      %dma_wait3A_52 = tpu.memref_slice %arg2[%add3A_26] : memref<425984xi32, #tpu.memory_space<hbm>> -> memref<3328xi32, #tpu.memory_space<hbm>>
      tpu.wait_dma2 semaphore(%run_scoped3A : memref<!tpu.dma_semaphore, #tpu.memory_space<semaphore_mem>>) src(%dma_wait3A_52 : memref<3328xi32, #tpu.memory_space<hbm>>) dst(%arg7 : memref<3328xi32, #tpu.memory_space<vmem>>)
      tpu.yield
    }) : () -> ()
    %dma_start3A_27 = arith.constant 0 : i32
    %dma_start3A_28 = arith.constant 0 : i32
    %dma_start3A_29 = tpu.memref_slice %arg3[%dma_start3A_27, %dma_start3A_28] : memref<2600000x16xf32, #tpu.memory_space<hbm>> -> memref<2600000x16xf32, #tpu.memory_space<hbm>>
    tpu.enqueue_indirect_dma source(%dma_start3A_29 : memref<2600000x16xf32, #tpu.memory_space<hbm>>) target(%arg8 : memref<3328x16xf32, #tpu.memory_space<vmem>>) offsets(%arg7 : memref<3328xi32, #tpu.memory_space<vmem>>) semaphore(%arg10 : memref<!tpu.dma_semaphore, #tpu.memory_space<semaphore_mem>>)
    %dma_start3A_30 = arith.constant 0 : i32
    %dma_start3A_31 = tpu.memref_slice %arg4[%dma_start3A_30] : memref<2600000xf32, #tpu.memory_space<hbm>> -> memref<2600000xf32, #tpu.memory_space<hbm>>
    tpu.enqueue_indirect_dma source(%dma_start3A_31 : memref<2600000xf32, #tpu.memory_space<hbm>>) target(%arg9 : memref<3328xf32, #tpu.memory_space<vmem>>) offsets(%arg7 : memref<3328xi32, #tpu.memory_space<vmem>>) semaphore(%arg11 : memref<!tpu.dma_semaphore, #tpu.memory_space<semaphore_mem>>)
    %dma_wait3A_32 = arith.constant 0 : i32
    %dma_wait3A_33 = arith.constant 0 : i32
    %dma_wait3A_34 = tpu.memref_slice %arg3[%dma_wait3A_32, %dma_wait3A_33] : memref<2600000x16xf32, #tpu.memory_space<hbm>> -> memref<2600000x16xf32, #tpu.memory_space<hbm>>
    tpu.wait_indirect_dma semaphore(%arg10 : memref<!tpu.dma_semaphore, #tpu.memory_space<semaphore_mem>>) src(%dma_wait3A_34 : memref<2600000x16xf32, #tpu.memory_space<hbm>>) dst(%arg8 : memref<3328x16xf32, #tpu.memory_space<vmem>>)
    %dma_wait3A_35 = arith.constant 0 : i32
    %dma_wait3A_36 = tpu.memref_slice %arg4[%dma_wait3A_35] : memref<2600000xf32, #tpu.memory_space<hbm>> -> memref<2600000xf32, #tpu.memory_space<hbm>>
    tpu.wait_indirect_dma semaphore(%arg11 : memref<!tpu.dma_semaphore, #tpu.memory_space<semaphore_mem>>) src(%dma_wait3A_36 : memref<2600000xf32, #tpu.memory_space<hbm>>) dst(%arg9 : memref<3328xf32, #tpu.memory_space<vmem>>)
    "tpu.region"() ({
      %run_scoped3A = tpu.sem_alloc : memref<!tpu.dma_semaphore, #tpu.memory_space<semaphore_mem>>
      %dma_start3A_49 = arith.constant 0 : i32
      %dma_start3A_50 = tpu.memref_slice %arg5[%add3A_26, %dma_start3A_49] : memref<425984x16xf32, #tpu.memory_space<hbm>> -> memref<3328x16xf32, #tpu.memory_space<hbm>>
      %dma_start3A_51 = arith.constant 0 : i32
      %dma_start3A_52 = tpu.memref_slice %arg5[%add3A_26, %dma_start3A_51] : memref<425984x16xf32, #tpu.memory_space<hbm>> -> memref<3328x16xf32, #tpu.memory_space<hbm>>
      tpu.enqueue_dma source(%arg8 : memref<3328x16xf32, #tpu.memory_space<vmem>>) target(%dma_start3A_52 : memref<3328x16xf32, #tpu.memory_space<hbm>>) target_semaphore(%run_scoped3A : memref<!tpu.dma_semaphore, #tpu.memory_space<semaphore_mem>>)
      %dma_wait3A_53 = arith.constant 0 : i32
      %dma_wait3A_54 = tpu.memref_slice %arg5[%add3A_26, %dma_wait3A_53] : memref<425984x16xf32, #tpu.memory_space<hbm>> -> memref<3328x16xf32, #tpu.memory_space<hbm>>
      %dma_wait3A_55 = arith.constant 0 : i32
      %dma_wait3A_56 = tpu.memref_slice %arg5[%add3A_26, %dma_wait3A_55] : memref<425984x16xf32, #tpu.memory_space<hbm>> -> memref<3328x16xf32, #tpu.memory_space<hbm>>
      tpu.wait_dma2 semaphore(%run_scoped3A : memref<!tpu.dma_semaphore, #tpu.memory_space<semaphore_mem>>) src(%arg8 : memref<3328x16xf32, #tpu.memory_space<vmem>>) dst(%dma_wait3A_56 : memref<3328x16xf32, #tpu.memory_space<hbm>>)
      tpu.yield
    }) : () -> ()
    "tpu.region"() ({
      %run_scoped3A = tpu.sem_alloc : memref<!tpu.dma_semaphore, #tpu.memory_space<semaphore_mem>>
      %dma_start3A_49 = tpu.memref_slice %arg6[%add3A_26] : memref<425984xf32, #tpu.memory_space<hbm>> -> memref<3328xf32, #tpu.memory_space<hbm>>
      %dma_start3A_50 = tpu.memref_slice %arg6[%add3A_26] : memref<425984xf32, #tpu.memory_space<hbm>> -> memref<3328xf32, #tpu.memory_space<hbm>>
      tpu.enqueue_dma source(%arg9 : memref<3328xf32, #tpu.memory_space<vmem>>) target(%dma_start3A_50 : memref<3328xf32, #tpu.memory_space<hbm>>) target_semaphore(%run_scoped3A : memref<!tpu.dma_semaphore, #tpu.memory_space<semaphore_mem>>)
      %dma_wait3A_51 = tpu.memref_slice %arg6[%add3A_26] : memref<425984xf32, #tpu.memory_space<hbm>> -> memref<3328xf32, #tpu.memory_space<hbm>>
      %dma_wait3A_52 = tpu.memref_slice %arg6[%add3A_26] : memref<425984xf32, #tpu.memory_space<hbm>> -> memref<3328xf32, #tpu.memory_space<hbm>>
      tpu.wait_dma2 semaphore(%run_scoped3A : memref<!tpu.dma_semaphore, #tpu.memory_space<semaphore_mem>>) src(%arg9 : memref<3328xf32, #tpu.memory_space<vmem>>) dst(%dma_wait3A_52 : memref<3328xf32, #tpu.memory_space<hbm>>)
      tpu.yield
    }) : () -> ()
    %add3A_37 = arith.constant 9984 : i32
    %add3A_38 = arith.addi %mul3A_2, %add3A_37 : i32
    "tpu.region"() ({
      %run_scoped3A = tpu.sem_alloc : memref<!tpu.dma_semaphore, #tpu.memory_space<semaphore_mem>>
      %dma_start3A_49 = tpu.memref_slice %arg2[%add3A_38] : memref<425984xi32, #tpu.memory_space<hbm>> -> memref<3328xi32, #tpu.memory_space<hbm>>
      %dma_start3A_50 = tpu.memref_slice %arg2[%add3A_38] : memref<425984xi32, #tpu.memory_space<hbm>> -> memref<3328xi32, #tpu.memory_space<hbm>>
      tpu.enqueue_dma source(%dma_start3A_50 : memref<3328xi32, #tpu.memory_space<hbm>>) target(%arg7 : memref<3328xi32, #tpu.memory_space<vmem>>) target_semaphore(%run_scoped3A : memref<!tpu.dma_semaphore, #tpu.memory_space<semaphore_mem>>)
      %dma_wait3A_51 = tpu.memref_slice %arg2[%add3A_38] : memref<425984xi32, #tpu.memory_space<hbm>> -> memref<3328xi32, #tpu.memory_space<hbm>>
      %dma_wait3A_52 = tpu.memref_slice %arg2[%add3A_38] : memref<425984xi32, #tpu.memory_space<hbm>> -> memref<3328xi32, #tpu.memory_space<hbm>>
      tpu.wait_dma2 semaphore(%run_scoped3A : memref<!tpu.dma_semaphore, #tpu.memory_space<semaphore_mem>>) src(%dma_wait3A_52 : memref<3328xi32, #tpu.memory_space<hbm>>) dst(%arg7 : memref<3328xi32, #tpu.memory_space<vmem>>)
      tpu.yield
    }) : () -> ()
    %dma_start3A_39 = arith.constant 0 : i32
    %dma_start3A_40 = arith.constant 0 : i32
    %dma_start3A_41 = tpu.memref_slice %arg3[%dma_start3A_39, %dma_start3A_40] : memref<2600000x16xf32, #tpu.memory_space<hbm>> -> memref<2600000x16xf32, #tpu.memory_space<hbm>>
    tpu.enqueue_indirect_dma source(%dma_start3A_41 : memref<2600000x16xf32, #tpu.memory_space<hbm>>) target(%arg8 : memref<3328x16xf32, #tpu.memory_space<vmem>>) offsets(%arg7 : memref<3328xi32, #tpu.memory_space<vmem>>) semaphore(%arg10 : memref<!tpu.dma_semaphore, #tpu.memory_space<semaphore_mem>>)
    %dma_start3A_42 = arith.constant 0 : i32
    %dma_start3A_43 = tpu.memref_slice %arg4[%dma_start3A_42] : memref<2600000xf32, #tpu.memory_space<hbm>> -> memref<2600000xf32, #tpu.memory_space<hbm>>
    tpu.enqueue_indirect_dma source(%dma_start3A_43 : memref<2600000xf32, #tpu.memory_space<hbm>>) target(%arg9 : memref<3328xf32, #tpu.memory_space<vmem>>) offsets(%arg7 : memref<3328xi32, #tpu.memory_space<vmem>>) semaphore(%arg11 : memref<!tpu.dma_semaphore, #tpu.memory_space<semaphore_mem>>)
    %dma_wait3A_44 = arith.constant 0 : i32
    %dma_wait3A_45 = arith.constant 0 : i32
    %dma_wait3A_46 = tpu.memref_slice %arg3[%dma_wait3A_44, %dma_wait3A_45] : memref<2600000x16xf32, #tpu.memory_space<hbm>> -> memref<2600000x16xf32, #tpu.memory_space<hbm>>
    tpu.wait_indirect_dma semaphore(%arg10 : memref<!tpu.dma_semaphore, #tpu.memory_space<semaphore_mem>>) src(%dma_wait3A_46 : memref<2600000x16xf32, #tpu.memory_space<hbm>>) dst(%arg8 : memref<3328x16xf32, #tpu.memory_space<vmem>>)
    %dma_wait3A_47 = arith.constant 0 : i32
    %dma_wait3A_48 = tpu.memref_slice %arg4[%dma_wait3A_47] : memref<2600000xf32, #tpu.memory_space<hbm>> -> memref<2600000xf32, #tpu.memory_space<hbm>>
    tpu.wait_indirect_dma semaphore(%arg11 : memref<!tpu.dma_semaphore, #tpu.memory_space<semaphore_mem>>) src(%dma_wait3A_48 : memref<2600000xf32, #tpu.memory_space<hbm>>) dst(%arg9 : memref<3328xf32, #tpu.memory_space<vmem>>)
    "tpu.region"() ({
      %run_scoped3A = tpu.sem_alloc : memref<!tpu.dma_semaphore, #tpu.memory_space<semaphore_mem>>
      %dma_start3A_49 = arith.constant 0 : i32
      %dma_start3A_50 = tpu.memref_slice %arg5[%add3A_38, %dma_start3A_49] : memref<425984x16xf32, #tpu.memory_space<hbm>> -> memref<3328x16xf32, #tpu.memory_space<hbm>>
      %dma_start3A_51 = arith.constant 0 : i32
      %dma_start3A_52 = tpu.memref_slice %arg5[%add3A_38, %dma_start3A_51] : memref<425984x16xf32, #tpu.memory_space<hbm>> -> memref<3328x16xf32, #tpu.memory_space<hbm>>
      tpu.enqueue_dma source(%arg8 : memref<3328x16xf32, #tpu.memory_space<vmem>>) target(%dma_start3A_52 : memref<3328x16xf32, #tpu.memory_space<hbm>>) target_semaphore(%run_scoped3A : memref<!tpu.dma_semaphore, #tpu.memory_space<semaphore_mem>>)
      %dma_wait3A_53 = arith.constant 0 : i32
      %dma_wait3A_54 = tpu.memref_slice %arg5[%add3A_38, %dma_wait3A_53] : memref<425984x16xf32, #tpu.memory_space<hbm>> -> memref<3328x16xf32, #tpu.memory_space<hbm>>
      %dma_wait3A_55 = arith.constant 0 : i32
      %dma_wait3A_56 = tpu.memref_slice %arg5[%add3A_38, %dma_wait3A_55] : memref<425984x16xf32, #tpu.memory_space<hbm>> -> memref<3328x16xf32, #tpu.memory_space<hbm>>
      tpu.wait_dma2 semaphore(%run_scoped3A : memref<!tpu.dma_semaphore, #tpu.memory_space<semaphore_mem>>) src(%arg8 : memref<3328x16xf32, #tpu.memory_space<vmem>>) dst(%dma_wait3A_56 : memref<3328x16xf32, #tpu.memory_space<hbm>>)
      tpu.yield
    }) : () -> ()
    "tpu.region"() ({
      %run_scoped3A = tpu.sem_alloc : memref<!tpu.dma_semaphore, #tpu.memory_space<semaphore_mem>>
      %dma_start3A_49 = tpu.memref_slice %arg6[%add3A_38] : memref<425984xf32, #tpu.memory_space<hbm>> -> memref<3328xf32, #tpu.memory_space<hbm>>
      %dma_start3A_50 = tpu.memref_slice %arg6[%add3A_38] : memref<425984xf32, #tpu.memory_space<hbm>> -> memref<3328xf32, #tpu.memory_space<hbm>>
      tpu.enqueue_dma source(%arg9 : memref<3328xf32, #tpu.memory_space<vmem>>) target(%dma_start3A_50 : memref<3328xf32, #tpu.memory_space<hbm>>) target_semaphore(%run_scoped3A : memref<!tpu.dma_semaphore, #tpu.memory_space<semaphore_mem>>)
      %dma_wait3A_51 = tpu.memref_slice %arg6[%add3A_38] : memref<425984xf32, #tpu.memory_space<hbm>> -> memref<3328xf32, #tpu.memory_space<hbm>>
      %dma_wait3A_52 = tpu.memref_slice %arg6[%add3A_38] : memref<425984xf32, #tpu.memory_space<hbm>> -> memref<3328xf32, #tpu.memory_space<hbm>>
      tpu.wait_dma2 semaphore(%run_scoped3A : memref<!tpu.dma_semaphore, #tpu.memory_space<semaphore_mem>>) src(%arg9 : memref<3328xf32, #tpu.memory_space<vmem>>) dst(%dma_wait3A_52 : memref<3328xf32, #tpu.memory_space<hbm>>)
      tpu.yield
    }) : () -> ()
    return
  }
}

module attributes {stable_mosaic.version = 14 : i64} {
  func.func @_tc_flatten_body(%arg0: i32, %arg1: memref<16x20480xf32, #tpu.memory_space<vmem>>, %arg2: memref<2560x128xf32, #tpu.memory_space<vmem>>) attributes {dimension_semantics = [#tpu.dimension_semantics<parallel>], iteration_bounds = array<i64: 127>, scalar_prefetch = 0 : i64, scratch_operands = 0 : i64, tpu.core_type = #tpu.core_type<tc>, window_params = [{transform_indices = @transform_0, window_bounds = array<i64: 16, 20480>}, {transform_indices = @transform_1, window_bounds = array<i64: 2560, 128>}]} {
    %get3A = arith.constant 0 : index
    %get3A_0 = arith.constant 0 : index
    %get3A_1 = vector.load %arg1[%get3A, %get3A_0] : memref<16x20480xf32, #tpu.memory_space<vmem>>, vector<16x20480xf32>
    %transpose3A = tpu.transpose %get3A_1, [1, 0] : vector<16x20480xf32> -> vector<20480x16xf32>
    %reshape3A = vector.shape_cast %transpose3A : vector<20480x16xf32> to vector<2560x8x16xf32>
    %slice3A = vector.extract_strided_slice %reshape3A {offsets = [0, 0, 0], sizes = [2560, 1, 16], strides = [1, 1, 1]} : vector<2560x8x16xf32> to vector<2560x1x16xf32>
    %squeeze3A = vector.shape_cast %slice3A : vector<2560x1x16xf32> to vector<2560x16xf32>
    %swap3A = arith.constant 0 : index
    %swap3A_2 = arith.constant 0 : index
    %swap3A_3 = vector.load %arg2[%swap3A, %swap3A_2] : memref<2560x128xf32, #tpu.memory_space<vmem>>, vector<2560x16xf32>
    tpu.vector_store %arg2[%swap3A, %swap3A_2], %squeeze3A {strides = array<i32>} : memref<2560x128xf32, #tpu.memory_space<vmem>>, vector<2560x16xf32>,
    %slice3A_4 = vector.extract_strided_slice %reshape3A {offsets = [0, 1, 0], sizes = [2560, 1, 16], strides = [1, 1, 1]} : vector<2560x8x16xf32> to vector<2560x1x16xf32>
    %squeeze3A_5 = vector.shape_cast %slice3A_4 : vector<2560x1x16xf32> to vector<2560x16xf32>
    %swap3A_6 = arith.constant 0 : index
    %swap3A_7 = arith.constant 16 : index
    %swap3A_8 = vector.load %arg2[%swap3A_6, %swap3A_7] : memref<2560x128xf32, #tpu.memory_space<vmem>>, vector<2560x16xf32>
    tpu.vector_store %arg2[%swap3A_6, %swap3A_7], %squeeze3A_5 {strides = array<i32>} : memref<2560x128xf32, #tpu.memory_space<vmem>>, vector<2560x16xf32>,
    %slice3A_9 = vector.extract_strided_slice %reshape3A {offsets = [0, 2, 0], sizes = [2560, 1, 16], strides = [1, 1, 1]} : vector<2560x8x16xf32> to vector<2560x1x16xf32>
    %squeeze3A_10 = vector.shape_cast %slice3A_9 : vector<2560x1x16xf32> to vector<2560x16xf32>
    %swap3A_11 = arith.constant 0 : index
    %swap3A_12 = arith.constant 32 : index
    %swap3A_13 = vector.load %arg2[%swap3A_11, %swap3A_12] : memref<2560x128xf32, #tpu.memory_space<vmem>>, vector<2560x16xf32>
    tpu.vector_store %arg2[%swap3A_11, %swap3A_12], %squeeze3A_10 {strides = array<i32>} : memref<2560x128xf32, #tpu.memory_space<vmem>>, vector<2560x16xf32>,
    %slice3A_14 = vector.extract_strided_slice %reshape3A {offsets = [0, 3, 0], sizes = [2560, 1, 16], strides = [1, 1, 1]} : vector<2560x8x16xf32> to vector<2560x1x16xf32>
    %squeeze3A_15 = vector.shape_cast %slice3A_14 : vector<2560x1x16xf32> to vector<2560x16xf32>
    %swap3A_16 = arith.constant 0 : index
    %swap3A_17 = arith.constant 48 : index
    %swap3A_18 = vector.load %arg2[%swap3A_16, %swap3A_17] : memref<2560x128xf32, #tpu.memory_space<vmem>>, vector<2560x16xf32>
    tpu.vector_store %arg2[%swap3A_16, %swap3A_17], %squeeze3A_15 {strides = array<i32>} : memref<2560x128xf32, #tpu.memory_space<vmem>>, vector<2560x16xf32>,
    %slice3A_19 = vector.extract_strided_slice %reshape3A {offsets = [0, 4, 0], sizes = [2560, 1, 16], strides = [1, 1, 1]} : vector<2560x8x16xf32> to vector<2560x1x16xf32>
    %squeeze3A_20 = vector.shape_cast %slice3A_19 : vector<2560x1x16xf32> to vector<2560x16xf32>
    %swap3A_21 = arith.constant 0 : index
    %swap3A_22 = arith.constant 64 : index
    %swap3A_23 = vector.load %arg2[%swap3A_21, %swap3A_22] : memref<2560x128xf32, #tpu.memory_space<vmem>>, vector<2560x16xf32>
    tpu.vector_store %arg2[%swap3A_21, %swap3A_22], %squeeze3A_20 {strides = array<i32>} : memref<2560x128xf32, #tpu.memory_space<vmem>>, vector<2560x16xf32>,
    %slice3A_24 = vector.extract_strided_slice %reshape3A {offsets = [0, 5, 0], sizes = [2560, 1, 16], strides = [1, 1, 1]} : vector<2560x8x16xf32> to vector<2560x1x16xf32>
    %squeeze3A_25 = vector.shape_cast %slice3A_24 : vector<2560x1x16xf32> to vector<2560x16xf32>
    %swap3A_26 = arith.constant 0 : index
    %swap3A_27 = arith.constant 80 : index
    %swap3A_28 = vector.load %arg2[%swap3A_26, %swap3A_27] : memref<2560x128xf32, #tpu.memory_space<vmem>>, vector<2560x16xf32>
    tpu.vector_store %arg2[%swap3A_26, %swap3A_27], %squeeze3A_25 {strides = array<i32>} : memref<2560x128xf32, #tpu.memory_space<vmem>>, vector<2560x16xf32>,
    %slice3A_29 = vector.extract_strided_slice %reshape3A {offsets = [0, 6, 0], sizes = [2560, 1, 16], strides = [1, 1, 1]} : vector<2560x8x16xf32> to vector<2560x1x16xf32>
    %squeeze3A_30 = vector.shape_cast %slice3A_29 : vector<2560x1x16xf32> to vector<2560x16xf32>
    %swap3A_31 = arith.constant 0 : index
    %swap3A_32 = arith.constant 96 : index
    %swap3A_33 = vector.load %arg2[%swap3A_31, %swap3A_32] : memref<2560x128xf32, #tpu.memory_space<vmem>>, vector<2560x16xf32>
    tpu.vector_store %arg2[%swap3A_31, %swap3A_32], %squeeze3A_30 {strides = array<i32>} : memref<2560x128xf32, #tpu.memory_space<vmem>>, vector<2560x16xf32>,
    %slice3A_34 = vector.extract_strided_slice %reshape3A {offsets = [0, 7, 0], sizes = [2560, 1, 16], strides = [1, 1, 1]} : vector<2560x8x16xf32> to vector<2560x1x16xf32>
    %squeeze3A_35 = vector.shape_cast %slice3A_34 : vector<2560x1x16xf32> to vector<2560x16xf32>
    %swap3A_36 = arith.constant 0 : index
    %swap3A_37 = arith.constant 112 : index
    %swap3A_38 = vector.load %arg2[%swap3A_36, %swap3A_37] : memref<2560x128xf32, #tpu.memory_space<vmem>>, vector<2560x16xf32>
    tpu.vector_store %arg2[%swap3A_36, %swap3A_37], %squeeze3A_35 {strides = array<i32>} : memref<2560x128xf32, #tpu.memory_space<vmem>>, vector<2560x16xf32>,
    return
  }
  func.func @transform_0(%arg0: i32) -> (i32, i32) {
    %c0_i32 = arith.constant 0 : i32
    %c0_i32_0 = arith.constant 0 : i32
    return %c0_i32, %arg0 : i32, i32
  }
  func.func @transform_1(%arg0: i32) -> (i32, i32) {
    %c0_i32 = arith.constant 0 : i32
    %c0_i32_0 = arith.constant 0 : i32
    return %arg0, %c0_i32 : i32, i32
  }
}

module attributes {stable_mosaic.version = 14 : i64} {
  func.func @_dense_body(%arg0: i32, %arg1: memref<1024x416xf32, #tpu.memory_space<vmem>>, %arg2: memref<1024x26xf32, #tpu.memory_space<vmem>>, %arg3: memref<1x416xf32, #tpu.memory_space<vmem>>, %arg4: memref<1x416xf32, #tpu.memory_space<vmem>>, %arg5: memref<416x26xf32, #tpu.memory_space<vmem>>, %arg6: memref<1x26xf32, #tpu.memory_space<vmem>>, %arg7: memref<26x416xf32, #tpu.memory_space<vmem>>, %arg8: memref<416x256xf32, #tpu.memory_space<vmem>>, %arg9: memref<1x256xf32, #tpu.memory_space<vmem>>, %arg10: memref<256x128xf32, #tpu.memory_space<vmem>>, %arg11: memref<1x128xf32, #tpu.memory_space<vmem>>, %arg12: memref<128x1xf32, #tpu.memory_space<vmem>>, %arg13: memref<1x1xf32, #tpu.memory_space<vmem>>, %arg14: memref<1x1xf32, #tpu.memory_space<vmem>>, %arg15: memref<1024x1xf32, #tpu.memory_space<vmem>>) attributes {dimension_semantics = [#tpu.dimension_semantics<arbitrary>], iteration_bounds = array<i64: 16>, scalar_prefetch = 0 : i64, scratch_operands = 0 : i64, tpu.core_type = #tpu.core_type<tc>, window_params = [{transform_indices = @transform_0, window_bounds = array<i64: 1024, 416>}, {transform_indices = @transform_1, window_bounds = array<i64: 1024, 26>}, {pipeline_mode = #tpu.pipeline_mode<synchronous>, transform_indices = @transform_2, window_bounds = array<i64: 1, 416>}, {pipeline_mode = #tpu.pipeline_mode<synchronous>, transform_indices = @transform_3, window_bounds = array<i64: 1, 416>}, {pipeline_mode = #tpu.pipeline_mode<synchronous>, transform_indices = @transform_4, window_bounds = array<i64: 416, 26>}, {pipeline_mode = #tpu.pipeline_mode<synchronous>, transform_indices = @transform_5, window_bounds = array<i64: 1, 26>}, {pipeline_mode = #tpu.pipeline_mode<synchronous>, transform_indices = @transform_6, window_bounds = array<i64: 26, 416>}, {pipeline_mode = #tpu.pipeline_mode<synchronous>, transform_indices = @transform_7, window_bounds = array<i64: 416, 256>}, {pipeline_mode = #tpu.pipeline_mode<synchronous>, transform_indices = @transform_8, window_bounds = array<i64: 1, 256>}, {pipeline_mode = #tpu.pipeline_mode<synchronous>, transform_indices = @transform_9, window_bounds = array<i64: 256, 128>}, {pipeline_mode = #tpu.pipeline_mode<synchronous>, transform_indices = @transform_10, window_bounds = array<i64: 1, 128>}, {pipeline_mode = #tpu.pipeline_mode<synchronous>, transform_indices = @transform_11, window_bounds = array<i64: 128, 1>}, {pipeline_mode = #tpu.pipeline_mode<synchronous>, transform_indices = @transform_12, window_bounds = array<i64: 1, 1>}, {pipeline_mode = #tpu.pipeline_mode<synchronous>, transform_indices = @transform_13, window_bounds = array<i64: 1, 1>}, {transform_indices = @transform_14, window_bounds = array<i64: 1024, 1>}]} {
    %get3A = arith.constant 0 : index
    %get3A_0 = arith.constant 0 : index
    %get3A_1 = vector.load %arg1[%get3A, %get3A_0] : memref<1024x416xf32, #tpu.memory_space<vmem>>, vector<1024x416xf32>
    %get3A_2 = arith.constant 0 : index
    %get3A_3 = arith.constant 0 : index
    %get3A_4 = vector.load %arg3[%get3A_2, %get3A_3] : memref<1x416xf32, #tpu.memory_space<vmem>>, vector<1x416xf32>
    %mul3A = vector.broadcast %get3A_4 : vector<1x416xf32> to vector<1024x416xf32>
    %mul3A_5 = arith.mulf %get3A_1, %mul3A : vector<1024x416xf32>
    %get3A_6 = arith.constant 0 : index
    %get3A_7 = arith.constant 0 : index
    %get3A_8 = vector.load %arg4[%get3A_6, %get3A_7] : memref<1x416xf32, #tpu.memory_space<vmem>>, vector<1x416xf32>
    %add3A = vector.broadcast %get3A_8 : vector<1x416xf32> to vector<1024x416xf32>
    %add3A_9 = arith.addf %mul3A_5, %add3A : vector<1024x416xf32>
    %get3A_10 = arith.constant 0 : index
    %get3A_11 = arith.constant 0 : index
    %get3A_12 = vector.load %arg5[%get3A_10, %get3A_11] : memref<416x26xf32, #tpu.memory_space<vmem>>, vector<416x26xf32>
    %dot_general3A = arith.constant dense<0.000000e+00> : vector<1024x26xf32>
    %dot_general3A_13 = tpu.matmul %add3A_9, %get3A_12, %dot_general3A {dimension_numbers = #tpu.dot_dimension_numbers<[1], [0], [0], [1], [0, 0, 1, 1], [], []>, transpose_lhs_hint = false} : vector<1024x416xf32>, vector<416x26xf32>, vector<1024x26xf32> -> vector<1024x26xf32>
    %get3A_14 = arith.constant 0 : index
    %get3A_15 = arith.constant 0 : index
    %get3A_16 = vector.load %arg6[%get3A_14, %get3A_15] : memref<1x26xf32, #tpu.memory_space<vmem>>, vector<1x26xf32>
    %add3A_17 = vector.broadcast %get3A_16 : vector<1x26xf32> to vector<1024x26xf32>
    %add3A_18 = arith.addf %dot_general3A_13, %add3A_17 : vector<1024x26xf32>
    %max3A = arith.constant 0.000000e+00 : f32
    %max3A_19 = vector.broadcast %max3A : f32 to vector<1024x26xf32>
    %max3A_20 = arith.maximumf %add3A_18, %max3A_19 : vector<1024x26xf32>
    %reduce_max3A = arith.constant dense<0xFF800000> : vector<1024xf32>
    %reduce_max3A_21 = vector.multi_reduction <maximumf>, %max3A_20, %reduce_max3A [1] : vector<1024x26xf32> to vector<1024xf32>
    %broadcast_in_dim3A = vector.shape_cast %reduce_max3A_21 : vector<1024xf32> to vector<1024x1xf32>
    %sub3A = vector.broadcast %broadcast_in_dim3A : vector<1024x1xf32> to vector<1024x26xf32>
    %sub3A_22 = arith.subf %max3A_20, %sub3A : vector<1024x26xf32>
    %exp3A = math.exp %sub3A_22 : vector<1024x26xf32>
    %reduce_sum3A = arith.constant dense<0.000000e+00> : vector<1024xf32>
    %reduce_sum3A_23 = vector.multi_reduction <add>, %exp3A, %reduce_sum3A [1] : vector<1024x26xf32> to vector<1024xf32>
    %broadcast_in_dim3A_24 = vector.shape_cast %reduce_sum3A_23 : vector<1024xf32> to vector<1024x1xf32>
    %div3A = vector.broadcast %broadcast_in_dim3A_24 : vector<1024x1xf32> to vector<1024x26xf32>
    %div3A_25 = arith.divf %exp3A, %div3A : vector<1024x26xf32>
    %get3A_26 = arith.constant 0 : index
    %get3A_27 = arith.constant 0 : index
    %get3A_28 = vector.load %arg7[%get3A_26, %get3A_27] : memref<26x416xf32, #tpu.memory_space<vmem>>, vector<26x416xf32>
    %dot_general3A_29 = arith.constant dense<0.000000e+00> : vector<1024x416xf32>
    %dot_general3A_30 = tpu.matmul %div3A_25, %get3A_28, %dot_general3A_29 {dimension_numbers = #tpu.dot_dimension_numbers<[1], [0], [0], [1], [0, 0, 1, 1], [], []>, transpose_lhs_hint = false} : vector<1024x26xf32>, vector<26x416xf32>, vector<1024x416xf32> -> vector<1024x416xf32>
    %mul3A_31 = arith.mulf %add3A_9, %dot_general3A_30 : vector<1024x416xf32>
    %get3A_32 = arith.constant 0 : index
    %get3A_33 = arith.constant 0 : index
    %get3A_34 = vector.load %arg8[%get3A_32, %get3A_33] : memref<416x256xf32, #tpu.memory_space<vmem>>, vector<416x256xf32>
    %dot_general3A_35 = arith.constant dense<0.000000e+00> : vector<1024x256xf32>
    %dot_general3A_36 = tpu.matmul %mul3A_31, %get3A_34, %dot_general3A_35 {dimension_numbers = #tpu.dot_dimension_numbers<[1], [0], [0], [1], [0, 0, 1, 1], [], []>, transpose_lhs_hint = false} : vector<1024x416xf32>, vector<416x256xf32>, vector<1024x256xf32> -> vector<1024x256xf32>
    %get3A_37 = arith.constant 0 : index
    %get3A_38 = arith.constant 0 : index
    %get3A_39 = vector.load %arg9[%get3A_37, %get3A_38] : memref<1x256xf32, #tpu.memory_space<vmem>>, vector<1x256xf32>
    %add3A_40 = vector.broadcast %get3A_39 : vector<1x256xf32> to vector<1024x256xf32>
    %add3A_41 = arith.addf %dot_general3A_36, %add3A_40 : vector<1024x256xf32>
    %max3A_42 = arith.constant 0.000000e+00 : f32
    %max3A_43 = vector.broadcast %max3A_42 : f32 to vector<1024x256xf32>
    %max3A_44 = arith.maximumf %add3A_41, %max3A_43 : vector<1024x256xf32>
    %get3A_45 = arith.constant 0 : index
    %get3A_46 = arith.constant 0 : index
    %get3A_47 = vector.load %arg10[%get3A_45, %get3A_46] : memref<256x128xf32, #tpu.memory_space<vmem>>, vector<256x128xf32>
    %dot_general3A_48 = arith.constant dense<0.000000e+00> : vector<1024x128xf32>
    %dot_general3A_49 = tpu.matmul %max3A_44, %get3A_47, %dot_general3A_48 {dimension_numbers = #tpu.dot_dimension_numbers<[1], [0], [0], [1], [0, 0, 1, 1], [], []>, transpose_lhs_hint = false} : vector<1024x256xf32>, vector<256x128xf32>, vector<1024x128xf32> -> vector<1024x128xf32>
    %get3A_50 = arith.constant 0 : index
    %get3A_51 = arith.constant 0 : index
    %get3A_52 = vector.load %arg11[%get3A_50, %get3A_51] : memref<1x128xf32, #tpu.memory_space<vmem>>, vector<1x128xf32>
    %add3A_53 = vector.broadcast %get3A_52 : vector<1x128xf32> to vector<1024x128xf32>
    %add3A_54 = arith.addf %dot_general3A_49, %add3A_53 : vector<1024x128xf32>
    %max3A_55 = arith.constant 0.000000e+00 : f32
    %max3A_56 = vector.broadcast %max3A_55 : f32 to vector<1024x128xf32>
    %max3A_57 = arith.maximumf %add3A_54, %max3A_56 : vector<1024x128xf32>
    %get3A_58 = arith.constant 0 : index
    %get3A_59 = arith.constant 0 : index
    %get3A_60 = vector.load %arg12[%get3A_58, %get3A_59] : memref<128x1xf32, #tpu.memory_space<vmem>>, vector<128x1xf32>
    %dot_general3A_61 = arith.constant dense<0.000000e+00> : vector<1024x1xf32>
    %dot_general3A_62 = tpu.matmul %max3A_57, %get3A_60, %dot_general3A_61 {dimension_numbers = #tpu.dot_dimension_numbers<[1], [0], [0], [1], [0, 0, 1, 1], [], []>, transpose_lhs_hint = false} : vector<1024x128xf32>, vector<128x1xf32>, vector<1024x1xf32> -> vector<1024x1xf32>
    %get3A_63 = arith.constant 0 : index
    %get3A_64 = arith.constant 0 : index
    %get3A_65 = vector.load %arg13[%get3A_63, %get3A_64] : memref<1x1xf32, #tpu.memory_space<vmem>>, vector<1x1xf32>
    %add3A_66 = vector.broadcast %get3A_65 : vector<1x1xf32> to vector<1024x1xf32>
    %add3A_67 = arith.addf %dot_general3A_62, %add3A_66 : vector<1024x1xf32>
    %get3A_68 = arith.constant 0 : index
    %get3A_69 = arith.constant 0 : index
    %get3A_70 = vector.load %arg2[%get3A_68, %get3A_69] : memref<1024x26xf32, #tpu.memory_space<vmem>>, vector<1024x26xf32>
    %reduce_sum3A_71 = arith.constant dense<0.000000e+00> : vector<1024xf32>
    %reduce_sum3A_72 = vector.multi_reduction <add>, %get3A_70, %reduce_sum3A_71 [1] : vector<1024x26xf32> to vector<1024xf32>
    %broadcast_in_dim3A_73 = vector.shape_cast %reduce_sum3A_72 : vector<1024xf32> to vector<1024x1xf32>
    %get3A_74 = arith.constant 0 : index
    %get3A_75 = arith.constant 0 : index
    %get3A_76 = vector.load %arg14[%get3A_74, %get3A_75] : memref<1x1xf32, #tpu.memory_space<vmem>>, vector<1x1xf32>
    %add3A_77 = vector.broadcast %get3A_76 : vector<1x1xf32> to vector<1024x1xf32>
    %add3A_78 = arith.addf %broadcast_in_dim3A_73, %add3A_77 : vector<1024x1xf32>
    %add3A_79 = arith.addf %add3A_78, %add3A_67 : vector<1024x1xf32>
    %logistic3A = arith.negf %add3A_79 : vector<1024x1xf32>
    %logistic3A_80 = math.exp %logistic3A : vector<1024x1xf32>
    %logistic3A_81 = arith.constant 1.000000e+00 : f32
    %logistic3A_82 = vector.broadcast %logistic3A_81 : f32 to vector<1024x1xf32>
    %logistic3A_83 = arith.addf %logistic3A_82, %logistic3A_80 : vector<1024x1xf32>
    %logistic3A_84 = arith.divf %logistic3A_82, %logistic3A_83 : vector<1024x1xf32>
    %swap3A = arith.constant 0 : index
    %swap3A_85 = arith.constant 0 : index
    %swap3A_86 = vector.load %arg15[%swap3A, %swap3A_85] : memref<1024x1xf32, #tpu.memory_space<vmem>>, vector<1024x1xf32>
    tpu.vector_store %arg15[%swap3A, %swap3A_85], %logistic3A_84 {strides = array<i32>} : memref<1024x1xf32, #tpu.memory_space<vmem>>, vector<1024x1xf32>,
    return
  }
  func.func @transform_0(%arg0: i32) -> (i32, i32) {
    %c0_i32 = arith.constant 0 : i32
    %c0_i32_0 = arith.constant 0 : i32
    return %arg0, %c0_i32 : i32, i32
  }
  func.func @transform_1(%arg0: i32) -> (i32, i32) {
    %c0_i32 = arith.constant 0 : i32
    %c0_i32_0 = arith.constant 0 : i32
    return %arg0, %c0_i32 : i32, i32
  }
  func.func @transform_2(%arg0: i32) -> (i32, i32) {
    %c0_i32 = arith.constant 0 : i32
    %c0_i32_0 = arith.constant 0 : i32
    %c0_i32_1 = arith.constant 0 : i32
    return %c0_i32, %c0_i32_0 : i32, i32
  }
  func.func @transform_3(%arg0: i32) -> (i32, i32) {
    %c0_i32 = arith.constant 0 : i32
    %c0_i32_0 = arith.constant 0 : i32
    %c0_i32_1 = arith.constant 0 : i32
    return %c0_i32, %c0_i32_0 : i32, i32
  }
  func.func @transform_4(%arg0: i32) -> (i32, i32) {
    %c0_i32 = arith.constant 0 : i32
    %c0_i32_0 = arith.constant 0 : i32
    %c0_i32_1 = arith.constant 0 : i32
    return %c0_i32, %c0_i32_0 : i32, i32
  }
  func.func @transform_5(%arg0: i32) -> (i32, i32) {
    %c0_i32 = arith.constant 0 : i32
    %c0_i32_0 = arith.constant 0 : i32
    %c0_i32_1 = arith.constant 0 : i32
    return %c0_i32, %c0_i32_0 : i32, i32
  }
  func.func @transform_6(%arg0: i32) -> (i32, i32) {
    %c0_i32 = arith.constant 0 : i32
    %c0_i32_0 = arith.constant 0 : i32
    %c0_i32_1 = arith.constant 0 : i32
    return %c0_i32, %c0_i32_0 : i32, i32
  }
  func.func @transform_7(%arg0: i32) -> (i32, i32) {
    %c0_i32 = arith.constant 0 : i32
    %c0_i32_0 = arith.constant 0 : i32
    %c0_i32_1 = arith.constant 0 : i32
    return %c0_i32, %c0_i32_0 : i32, i32
  }
  func.func @transform_8(%arg0: i32) -> (i32, i32) {
    %c0_i32 = arith.constant 0 : i32
    %c0_i32_0 = arith.constant 0 : i32
    %c0_i32_1 = arith.constant 0 : i32
    return %c0_i32, %c0_i32_0 : i32, i32
  }
  func.func @transform_9(%arg0: i32) -> (i32, i32) {
    %c0_i32 = arith.constant 0 : i32
    %c0_i32_0 = arith.constant 0 : i32
    %c0_i32_1 = arith.constant 0 : i32
    return %c0_i32, %c0_i32_0 : i32, i32
  }
  func.func @transform_10(%arg0: i32) -> (i32, i32) {
    %c0_i32 = arith.constant 0 : i32
    %c0_i32_0 = arith.constant 0 : i32
    %c0_i32_1 = arith.constant 0 : i32
    return %c0_i32, %c0_i32_0 : i32, i32
  }
  func.func @transform_11(%arg0: i32) -> (i32, i32) {
    %c0_i32 = arith.constant 0 : i32
    %c0_i32_0 = arith.constant 0 : i32
    %c0_i32_1 = arith.constant 0 : i32
    return %c0_i32, %c0_i32_0 : i32, i32
  }
  func.func @transform_12(%arg0: i32) -> (i32, i32) {
    %c0_i32 = arith.constant 0 : i32
    %c0_i32_0 = arith.constant 0 : i32
    %c0_i32_1 = arith.constant 0 : i32
    return %c0_i32, %c0_i32_0 : i32, i32
  }
  func.func @transform_13(%arg0: i32) -> (i32, i32) {
    %c0_i32 = arith.constant 0 : i32
    %c0_i32_0 = arith.constant 0 : i32
    %c0_i32_1 = arith.constant 0 : i32
    return %c0_i32, %c0_i32_0 : i32, i32
  }
  func.func @transform_14(%arg0: i32) -> (i32, i32) {
    %c0_i32 = arith.constant 0 : i32
    %c0_i32_0 = arith.constant 0 : i32
    return %arg0, %c0_i32 : i32, i32
  }
}

</mosaic_0001>

<sc_bundles>
// kernel: kernel.5.cloned.1.call-start
scs
__scs_entry_jumppad:
0x0: {  	(pc) =	sbr.rel $0x88, $3  }
0x1: {  	(tag) =	ssettag $0x0;
	lr =	simm.s32 $0x1  }
0x2: {  	[smem:$0x3F8D] =	sst lr;
	_ =	strace $0xD0000000  }
0x3: {  	_ = 	snop  }
0x4: {  	_ = 	snop  }
0x5: {  	_ = 	snop  }
0x6: {  	_ = 	snop  }
0x7: {  	_ = 	snop  }
__scs_overlays_trampoline_lowered:
0x8: {  	[smem:$0x3F9C] =	sst s0  }
0x9: {  	[smem:$0x3F9D] =	sst s1  }
0xa: {  	[smem:$0x3F9E] =	sst s2  }
0xb: {  	[smem:$0x3F9F] =	sst s3  }
0xc: {  	[smem:$0x3FA0] =	sst s4  }
0xd: {  	[smem:$0x3FA1] =	sst s5  }
0xe: {  	[smem:$0x3FA2] =	sst s6  }
0xf: {  	[smem:$0x3FA3] =	sst s7  }
0x10: {  	[smem:$0x3FA4] =	sst s8  }
0x11: {  	[smem:$0x3FA5] =	sst s9;
	s0 =	simm.s32 @!p0 $0x0  }
0x12: {  	s1 =	sld [smem:$0x3F8B];
	s0 =	simm.s32 @p0 $0x1  }
0x13: {  	[smem:$0x3FA6] =	sst s0;
	s0 =	simm.s32 @!p1 $0x0  }
0x14: {  	s2 =	sld [smem:$0x3F8A];
	s0 =	simm.s32 @p1 $0x1  }
0x15: {  	[smem:$0x3FA7] =	sst s0;
	s0 =	simm.s32 @!p2 $0x0  }
0x16: {  	s3 =	sld [smem:$0x3FDB];
	s0 =	simm.s32 @p2 $0x1  }
0x17: {  	s4 =	simm.s32 $0x1BF5;
	[smem:$0x3FA9] =	sst s0  }
0x18: {  	s0 =	sld [smem:$0x3F8C];
	_ =	swait.ge [sflag:s4], $0x0  }
0x19: {  	s7 =	sld [smem:$0x3F8D]  }
0x1a: {  	s8 =	sadd.s32 $0xFFFFE003, lr  }
0x1b: {  	s9 =	sadd.s32 $0xFFFFFEF7, lr;
	s5 =	simm.s32 $0xFFFFFFFF;
	p2 =	slt.u32 s8, $0xFFFFF086  }
0x1c: {  	p1 =	slt.u32 s9, $0xF7A;
	s5 =	simm.s32 @!p2 $0x0  }
0x1d: {  	s5 =	simm.s32 @p1 $0x1;
	p0 =	seq.s32 s7, s2  }
0x1e: {  	s7 =	smul.u32 @!p0 $0xF7A, s2;
	p2 =	seq.s32 @!p0 s5, $0x0  }
0x1f: {  	s9 =	smul.u32 $0xF7A, s1;
	s8 =	simm.s32 @!p0 $0x1BF5;
	p2 =	por !p2, p0  }
0x20: {  	[sflag:s8] =	ssyncset.s32 @!p0 $0xFFFFF086;
	s6 =	sadd.s32 @!p0 s3, s7;
	s7 =	simm.s32 @!p0 $0x108  }
0x21: {  	s3 =	sadd.s32 s3, s9;
	s6 =	sadd.s32 @!p0 $0x88, s6;
	s7 =	simm.s32 @p2 $0x1082  }
0x22: {  	[simem:s7], [sflag:s8] =	dma.local @!p0 [hbm:s6], $0xF7A  }
0x23: {  	s9 =	sor.u32 $0xD0000000, s2;
	s6 =	simm.s32 $0x108;
	_ =	swait.ge @!p0 [sflag:s8], $0x0  }
0x24: {  	s3 =	sadd.s32 $0x88, s3;
	s6 =	simm.s32 @!p1 $0x1082;
	[sflag:s4] =	ssyncset.s32 $0xFFFFF086  }
0x25: {  	[simem:s6], [sflag:s4] =	dma.local [hbm:s3], $0xF7A  }
0x26: {  	[smem:$0x3F8D] =	sst s1;
	(tag) =	ssettag s2;
	_ =	strace s9  }
0x27: {  	s1 =	sld [smem:$0x3F9D]  }
0x28: {  	s2 =	sld [smem:$0x3F9E]  }
0x29: {  	s4 =	sld [smem:$0x3FA0]  }
0x2a: {  	p0 =	seq.s32 s5, $0x0;
	s5 =	sld [smem:$0x3FA1]  }
0x2b: {  	s6 =	sld [smem:$0x3FA2]  }
0x2c: {  	s7 =	sld [smem:$0x3FA3]  }
0x2d: {  	s3 =	simm.s32 $0x108;
	s8 =	sld [smem:$0x3FA4]  }
0x2e: {  	s3 =	simm.s32 @!p0 $0x1082;
	s9 =	sld [smem:$0x3FA5]  }
0x2f: {  	lr =	sadd.s32 s0, s3;
	s0 =	sld [smem:$0x3F9C]  }
0x30: {  	s3 =	sld [smem:$0x3F9F]  }
0x31: {  	[smem:$0x3FA8] =	sst s10  }
0x32: {  	s10 =	sld [smem:$0x3FA6];
	_ =	sdelay $0x3  }
0x33: {  	p0 =	seq.s32 s10, $0x1;
	s10 =	sld [smem:$0x3FA8];
	_ =	sdelay $0x3  }
0x34: {  	[smem:$0x3FA8] =	sst s10  }
0x35: {  	s10 =	sld [smem:$0x3FA7];
	_ =	sdelay $0x3  }
0x36: {  	p1 =	seq.s32 s10, $0x1;
	s10 =	sld [smem:$0x3FA8];
	_ =	sdelay $0x3  }
0x37: {  	[smem:$0x3FA8] =	sst s10  }
0x38: {  	s10 =	sld [smem:$0x3FA9]  }
0x39: {  	_ = 	snop;
	(pc) =	sbr.ind lr, $3  }
0x3a: {  	_ = 	snop  }
0x3b: {  	_ = 	snop  }
0x3c: {  	p2 =	seq.s32 s10, $0x1;
	s10 =	sld [smem:$0x3FA8]  }
0x3d: {  	_ =	shalt  }
0x3e: {  	_ =	shalt  }
0x3f: {  	_ =	shalt  }
0x40: {  	_ =	shalt  }
0x41: {  	_ =	shalt  }
0x42: {  	_ =	shalt  }
0x43: {  	_ =	shalt  }
0x44: {  	_ =	shalt  }
0x45: {  	_ =	shalt  }
0x46: {  	_ =	shalt  }
0x47: {  	_ =	shalt  }
0x48: {  	_ =	shalt  }
0x49: {  	_ =	shalt  }
0x4a: {  	_ =	shalt  }
0x4b: {  	_ =	shalt  }
0x4c: {  	_ =	shalt  }
0x4d: {  	_ =	shalt  }
0x4e: {  	_ =	shalt  }
0x4f: {  	_ =	shalt  }
0x50: {  	_ =	shalt  }
0x51: {  	_ =	shalt  }
0x52: {  	_ =	shalt  }
0x53: {  	_ =	shalt  }
0x54: {  	_ =	shalt  }
0x55: {  	_ =	shalt  }
0x56: {  	_ =	shalt  }
0x57: {  	_ =	shalt  }
0x58: {  	_ =	shalt  }
0x59: {  	_ =	shalt  }
0x5a: {  	_ =	shalt  }
0x5b: {  	_ =	shalt  }
0x5c: {  	_ =	shalt  }
0x5d: {  	_ =	shalt  }
0x5e: {  	_ =	shalt  }
0x5f: {  	_ =	shalt  }
0x60: {  	_ =	shalt  }
0x61: {  	_ =	shalt  }
0x62: {  	_ =	shalt  }
0x63: {  	_ =	shalt  }
0x64: {  	_ =	shalt  }
0x65: {  	_ =	shalt  }
0x66: {  	_ =	shalt  }
0x67: {  	_ =	shalt  }
0x68: {  	_ =	shalt  }
0x69: {  	_ =	shalt  }
0x6a: {  	_ =	shalt  }
0x6b: {  	_ =	shalt  }
0x6c: {  	_ =	shalt  }
0x6d: {  	_ =	shalt  }
0x6e: {  	_ =	shalt  }
0x6f: {  	_ =	shalt  }
0x70: {  	_ =	shalt  }
0x71: {  	_ =	shalt  }
0x72: {  	_ =	shalt  }
0x73: {  	_ =	shalt  }
0x74: {  	_ =	shalt  }
0x75: {  	_ =	shalt  }
0x76: {  	_ =	shalt  }
0x77: {  	_ =	shalt  }
0x78: {  	_ =	shalt  }
0x79: {  	_ =	shalt  }
0x7a: {  	_ =	shalt  }
0x7b: {  	_ =	shalt  }
0x7c: {  	_ =	shalt  }
0x7d: {  	_ =	shalt  }
0x7e: {  	_ =	shalt  }
0x7f: {  	_ =	shalt  }
0x80: {  	_ =	shalt  }
0x81: {  	_ =	shalt  }
0x82: {  	_ =	shalt  }
0x83: {  	_ =	shalt  }
0x84: {  	_ =	shalt  }
0x85: {  	_ =	shalt  }
0x86: {  	_ =	shalt  }
0x87: {  	_ =	shalt  }
.Lfunc_end0:
.L_simem_size_0:
called_computation_lowered:
.L_overlay_start_0:
0x88: {  	s2 =	sld [smem:$0x3FD9]  }
0x89: {  	s3 =	sld [smem:$0x3FFE];
	_ =	sdelay $0x1  }
0x8a: {  	s1 =	srdreg.scid  }
0x8b: {  	s0 =	sand.u32 $0x1, s1  }
0x8c: {  	s16 =	sshll.u32 s0, $0xA;
	s2 =	sadd.s32 s3, s2  }
0x8d: {  	s2 =	sadd.s32 s2, s16  }
0x8e: {  	[smem:$0x3FB4] =	sst s2  }
0x8f: {  	_ = 	snop  }
0x90: {  	(tm) =	ssettm $0x1  }
0x91: {  	s17 =	sld [smem:$0x3FFB];
	_ =	sdelay $0x3  }
0x92: {  	_ =	strace s17  }
0x93: {  	s2 =	sld [smem:$0x3FFC];
	_ =	sdelay $0x3  }
0x94: {  	_ =	strace s2  }
0x95: {  	s2 =	sld [smem:$0x3FFD];
	_ =	sdelay $0x3  }
0x96: {  	_ =	strace s2  }
0x97: {  	_ =	strace $0x8FFFFFFF  }
0x98: {  	s18 =	sld [smem:$0x3FDB];
	_ =	sdelay $0x1  }
0x99: {  	s19 =	simm.s32 $_scs_section_size  }
0x9a: {  	s4 =	simm.s32 $_size__tile_overlayer_lowered;
	s5 =	simm.s32 $_tile_overlayer_lowered  }
0x9b: {  	s22 =	simm.s32 $0x1BFF;
	s21 =	sshll.u32 s5, $0x1;
	s2 =	sadd.s32 s19, s18  }
0x9c: {  	s6 =	simm.s32 $0x0;
	s20 =	sshll.u32 s4, $0x1;
	s4 =	sadd.s32 s21, s2  }
0x9d: {  	[timem:s6], [sflag:s22] =	dma.local [hbm:s4], s20  }
0x9e: {  	_ =	swait.ge [sflag:s22], s20  }
0x9f: {  	s3 =	ssub.s32 $0x0, s20;
	[sflag:s22] =	ssyncset.done $0x0  }
0xa0: {  	[sflag:s22] =	ssyncadd.s32 s3;
	_ =	sdelay $0x1  }
0xa1: {  	s23 =	simm.s32 $0x1B8B  }
0xa2: {  	_ =	swait.ge [sflag:s23], $0x1  }
0xa3: {  	[sflag:s23] =	ssyncset.done $0x0  }
0xa4: {  	s25 =	simm.s32 $0x1B8E;
	s24 =	sld [smem:$0x3FFE];
	[sflag:s23] =	ssyncadd.s32 $0xFFFFFFFF  }
0xa5: {  	s26 =	simm.s32 $execute0_lowered;
	[smem:$0x3FD2] =	sst s25  }
0xa6: {  	s4 =	sshll.u32 s26, $0x1;
	_ =	strace $0x80000046;
	[dreg:$0x1] =	wrdreg $0xFFFFFFFF  }
0xa7: {  	s28 =	simm.s32 $_size_execute0_lowered;
	s2 =	sadd.s32 s2, s4;
	[dreg:$0x0] =	wrdreg $0x0  }
0xa8: {  	s4 =	sshll.u32 s28, $0x1;
	[dreg:$0x2] =	wrdreg s2  }
0xa9: {  	[dreg:$0x3] =	wrdreg s4  }
0xaa: {  	[dreg:$0x4] =	wrdreg $0xC0  }
0xab: {  	_ =	task [dreg:s6], $0x5FFFF  }
0xac: {  	[dreg:$0x1] =	wrdreg $0xFFFFFFFF  }
0xad: {  	[dreg:$0x0] =	wrdreg $0x60  }
0xae: {  	[dreg:$0x2] =	wrdreg s24  }
0xaf: {  	[dreg:$0x3] =	wrdreg $0x9  }
0xb0: {  	_ =	task.clear_ibuf [dreg:s6], $0x4FFFF;
	_ =	strace $0x90000046  }
0xb1: {  	s29 =	simm.s32 $0x9;
	_ =	strace $0x80000048  }
0xb2: {  	_ =	swait.ge [sflag:s29], $0x1  }
0xb3: {  	[sflag:s29] =	ssyncadd.s32 $0xFFFFFFFF  }
0xb4: {  	_ =	strace $0x90000048  }
0xb5: {  	_ =	sfence  }
0xb6: {  	s30 =	sld [smem:$0x0];
	_ =	sdelay $0x2  }
0xb7: {  	s31 =	sshll.u32 s1, $0xD;
	s1 =	sshrl.u32 s1, $0x2  }
0xb8: {  	s3 =	sand.u32 $0x4000, s31;
	s1 =	sadd.s32 s1, s30  }
0xb9: {  	s0 =	sor.u32 s3, s0;
	s1 =	sshll.u32 s1, $0x11  }
0xba: {  	s0 =	sor.u32 s1, s0  }
0xbb: {  	s0 =	sadd.s32 $0x8F2B, s0  }
0xbc: {  	[sflag:s0] =	ssyncadd.remote.s32 $0x1  }
0xbd: {  	_ =	sfence.sel $0xFFFF  }
0xbe: {  	[dreg:$0x0] =	wrdreg $0xFFFFFFFF;
	(pc) =	sbr.abs _section_cstart, $3  }
0xbf: {  	[dreg:$0x1] =	wrdreg $0xFFFFFFFF  }
0xc0: {  	_ =	task.clear_ibuf [dreg:s6], $0x2FFFF;
	_ =	strace $0x9FFFFFFF  }
0xc1: {  	(tm) =	ssettm $0x7FFFFFFF  }
tec
execute0_lowered:
.L_overlay_start_1:
0x0: {  	(tag) =	ssettag $0x1  }
0x1: {  	s1 =	srdreg.scid;
	s0 =	stileid.u32  }
0x2: {  	s20 =	sand.u32 $0x1, s1;
	s28 =	sshll.u32 s0, $0x1  }
0x3: {  	s11 =	sor.u32 s20, s28  }
0x4: {  	s21 =	smul.u32 $0x3400, s11  }
0x5: {  	s12 =	rddreg [dreg:$0x0];
	s2 =	simm.s32 $0x0;
	s3 =	simm.s32 $0x3  }
0x6: {  	[smem:$0x7FF] =	sst s2;
	s19 =	sadd.s32 $0x4F8C00, s12;
	s13 =	sshrl.u32 s21, $0x3  }
0x7: {  	s1 =	rddreg [dreg:$0x1];
	_ =	strace $0x80000047;
	s4 =	sadd.s32 s19, s13  }
0x8: {  	[tilespmem:s2], [sflag:$0x3] =	stream.linear.gather [hbm4b:s4+s2], $0xD00, $0x38;
	[tilespmem:$0xEA00] =	vst v63  }
0x9: {  	_ =	swait.ge [sflag:s3], $0xD00  }
0xa: {  	[sflag:s3] =	ssyncset.done $0x0  }
0xb: {  	s6 =	simm.s32 $0xD00;
	s5 =	sadd.s32 $0x3200, s12;
	[sflag:s3] =	ssyncadd.s32 $0xFFFFF300  }
0xc: {  	[tilespmem:s6], [sflag:$0x1] =	stream.indirect.gather [hbm4b:s5+s6], $0x10, s2, s6, $0xb8;
	[tilespmem:$0xEA00] =	vst v63  }
0xd: {  	s8 =	simm.s32 $0xDD00;
	s9 =	simm.s32 $0x1;
	s7 =	sadd.s32 $0x505C00, s12  }
0xe: {  	[tilespmem:s8], [sflag:$0x2] =	stream.indirect.gather [hbm4b:s7+s6], $0x1, s2, s6, $0xb8;
	[tilespmem:$0xEA00] =	vst v63  }
0xf: {  	_ =	swait.ge [sflag:s9], $0xD000  }
0x10: {  	[sflag:s9] =	ssyncset.done $0x0  }
0x11: {  	s10 =	simm.s32 $0x2;
	[sflag:s9] =	ssyncadd.s32 $0xFFFF3000  }
0x12: {  	s11 =	smul.u32 $0x6800, s11;
	_ =	swait.ge [sflag:s10], $0xD00  }
0x13: {  	s23 =	sadd.s32 $0x555200, s12;
	[sflag:s10] =	ssyncset.done $0x0  }
0x14: {  	s11 =	sadd.s32 s23, s11;
	[sflag:s10] =	ssyncadd.s32 $0xFFFFF300  }
0x15: {  	[hbm4b:s11+s2] =	stream.linear.scatter [tilespmem:s6], [sflag:$0x3], $0xD000, $0x38;
	[tilespmem:$0xEA00] =	vst v63  }
0x16: {  	_ =	swait.ge [sflag:s3], $0xD000  }
0x17: {  	s22 =	sadd.s32 $0x625200, s12;
	[sflag:s3] =	ssyncset.done $0x0  }
0x18: {  	s12 =	sadd.s32 s22, s13;
	[sflag:s3] =	ssyncadd.s32 $0xFFFF3000  }
0x19: {  	[hbm4b:s12+s2] =	stream.linear.scatter [tilespmem:s8], [sflag:$0x3], $0xD00, $0x38;
	[tilespmem:$0xEA00] =	vst v63  }
0x1a: {  	s14 =	sadd.s32 $0xD00, s21;
	_ =	swait.ge [sflag:s3], $0xD00  }
0x1b: {  	s15 =	sshrl.u32 s14, $0x3;
	[sflag:s3] =	ssyncset.done $0x0  }
0x1c: {  	s13 =	sadd.s32 s19, s15;
	[sflag:s3] =	ssyncadd.s32 $0xFFFFF300  }
0x1d: {  	[tilespmem:s2], [sflag:$0x3] =	stream.linear.gather [hbm4b:s13+s2], $0xD00, $0x38;
	[tilespmem:$0xEA00] =	vst v63  }
0x1e: {  	_ =	swait.ge [sflag:s3], $0xD00  }
0x1f: {  	[sflag:s3] =	ssyncset.done $0x0  }
0x20: {  	[sflag:s3] =	ssyncadd.s32 $0xFFFFF300  }
0x21: {  	[tilespmem:s6], [sflag:$0x1] =	stream.indirect.gather [hbm4b:s5+s6], $0x10, s2, s6, $0xb8;
	[tilespmem:$0xEA00] =	vst v63  }
0x22: {  	_ = 	snop  }
0x23: {  	[tilespmem:s8], [sflag:$0x2] =	stream.indirect.gather [hbm4b:s7+s6], $0x1, s2, s6, $0xb8;
	[tilespmem:$0xEA00] =	vst v63  }
0x24: {  	_ =	swait.ge [sflag:s9], $0xD000  }
0x25: {  	[sflag:s9] =	ssyncset.done $0x0  }
0x26: {  	[sflag:s9] =	ssyncadd.s32 $0xFFFF3000  }
0x27: {  	_ =	swait.ge [sflag:s10], $0xD00  }
0x28: {  	s14 =	sshll.u32 s14, $0x1;
	[sflag:s10] =	ssyncset.done $0x0  }
0x29: {  	s14 =	sadd.s32 s23, s14;
	[sflag:s10] =	ssyncadd.s32 $0xFFFFF300  }
0x2a: {  	[hbm4b:s14+s2] =	stream.linear.scatter [tilespmem:s6], [sflag:$0x3], $0xD000, $0x38;
	[tilespmem:$0xEA00] =	vst v63  }
0x2b: {  	_ =	swait.ge [sflag:s3], $0xD000  }
0x2c: {  	[sflag:s3] =	ssyncset.done $0x0  }
0x2d: {  	s15 =	sadd.s32 s22, s15;
	[sflag:s3] =	ssyncadd.s32 $0xFFFF3000  }
0x2e: {  	[hbm4b:s15+s2] =	stream.linear.scatter [tilespmem:s8], [sflag:$0x3], $0xD00, $0x38;
	[tilespmem:$0xEA00] =	vst v63  }
0x2f: {  	s17 =	sadd.s32 $0x1A00, s21;
	_ =	swait.ge [sflag:s3], $0xD00  }
0x30: {  	s18 =	sshrl.u32 s17, $0x3;
	[sflag:s3] =	ssyncset.done $0x0  }
0x31: {  	s16 =	sadd.s32 s19, s18;
	[sflag:s3] =	ssyncadd.s32 $0xFFFFF300  }
0x32: {  	[tilespmem:s2], [sflag:$0x3] =	stream.linear.gather [hbm4b:s16+s2], $0xD00, $0x38;
	[tilespmem:$0xEA00] =	vst v63  }
0x33: {  	_ =	swait.ge [sflag:s3], $0xD00  }
0x34: {  	[sflag:s3] =	ssyncset.done $0x0  }
0x35: {  	[sflag:s3] =	ssyncadd.s32 $0xFFFFF300  }
0x36: {  	[tilespmem:s6], [sflag:$0x1] =	stream.indirect.gather [hbm4b:s5+s6], $0x10, s2, s6, $0xb8;
	[tilespmem:$0xEA00] =	vst v63  }
0x37: {  	_ = 	snop  }
0x38: {  	[tilespmem:s8], [sflag:$0x2] =	stream.indirect.gather [hbm4b:s7+s6], $0x1, s2, s6, $0xb8;
	[tilespmem:$0xEA00] =	vst v63  }
0x39: {  	_ =	swait.ge [sflag:s9], $0xD000  }
0x3a: {  	[sflag:s9] =	ssyncset.done $0x0  }
0x3b: {  	[sflag:s9] =	ssyncadd.s32 $0xFFFF3000  }
0x3c: {  	_ =	swait.ge [sflag:s10], $0xD00  }
0x3d: {  	s17 =	sshll.u32 s17, $0x1;
	[sflag:s10] =	ssyncset.done $0x0  }
0x3e: {  	s17 =	sadd.s32 s23, s17;
	[sflag:s10] =	ssyncadd.s32 $0xFFFFF300  }
0x3f: {  	[hbm4b:s17+s2] =	stream.linear.scatter [tilespmem:s6], [sflag:$0x3], $0xD000, $0x38;
	[tilespmem:$0xEA00] =	vst v63  }
0x40: {  	_ =	swait.ge [sflag:s3], $0xD000  }
0x41: {  	[sflag:s3] =	ssyncset.done $0x0  }
0x42: {  	s18 =	sadd.s32 s22, s18;
	[sflag:s3] =	ssyncadd.s32 $0xFFFF3000  }
0x43: {  	[hbm4b:s18+s2] =	stream.linear.scatter [tilespmem:s8], [sflag:$0x3], $0xD00, $0x38;
	[tilespmem:$0xEA00] =	vst v63  }
0x44: {  	s21 =	sadd.s32 $0x2700, s21;
	_ =	swait.ge [sflag:s3], $0xD00  }
0x45: {  	s24 =	sshrl.u32 s21, $0x3;
	[sflag:s3] =	ssyncset.done $0x0  }
0x46: {  	s19 =	sadd.s32 s19, s24;
	[sflag:s3] =	ssyncadd.s32 $0xFFFFF300  }
0x47: {  	[tilespmem:s2], [sflag:$0x3] =	stream.linear.gather [hbm4b:s19+s2], $0xD00, $0x38;
	[tilespmem:$0xEA00] =	vst v63  }
0x48: {  	_ =	swait.ge [sflag:s3], $0xD00  }
0x49: {  	[sflag:s3] =	ssyncset.done $0x0  }
0x4a: {  	[sflag:s3] =	ssyncadd.s32 $0xFFFFF300  }
0x4b: {  	[tilespmem:s6], [sflag:$0x1] =	stream.indirect.gather [hbm4b:s5+s6], $0x10, s2, s6, $0xb8;
	[tilespmem:$0xEA00] =	vst v63  }
0x4c: {  	_ = 	snop  }
0x4d: {  	[tilespmem:s8], [sflag:$0x2] =	stream.indirect.gather [hbm4b:s7+s6], $0x1, s2, s6, $0xb8;
	[tilespmem:$0xEA00] =	vst v63  }
0x4e: {  	_ =	swait.ge [sflag:s9], $0xD000  }
0x4f: {  	[sflag:s9] =	ssyncset.done $0x0  }
0x50: {  	s25 =	ssub.s32 $0x2, s20;
	[sflag:s9] =	ssyncadd.s32 $0xFFFF3000  }
0x51: {  	s29 =	sshrl.u32 s25, $0x1;
	_ =	swait.ge [sflag:s10], $0xD00  }
0x52: {  	s30 =	ssub.s32 s25, s29;
	s21 =	sshll.u32 s21, $0x1;
	[sflag:s10] =	ssyncset.done $0x0  }
0x53: {  	s31 =	smax.u32 s30, $0x1;
	s20 =	sadd.s32 s23, s21;
	[sflag:s10] =	ssyncadd.s32 $0xFFFFF300  }
0x54: {  	[hbm4b:s20+s2] =	stream.linear.scatter [tilespmem:s6], [sflag:$0x3], $0xD000, $0x38;
	[tilespmem:$0xEA00] =	vst v63  }
0x55: {  	p0 =	sne.s32 s31, $0x1;
	_ =	swait.ge [sflag:s3], $0xD000  }
.Ltmp0:
0x56: {  	[sflag:s3] =	ssyncset.done $0x0;
	(pc) =	sbr.rel @!p0 .LBB2_2-.Ltmp0, $4  }
0x57: {  	s21 =	sadd.s32 s22, s24;
	[sflag:s3] =	ssyncadd.s32 $0xFFFF3000  }
0x58: {  	[hbm4b:s21+s2] =	stream.linear.scatter [tilespmem:s8], [sflag:$0x3], $0xD00, $0x38;
	[tilespmem:$0xEA00] =	vst v63  }
0x59: {  	_ =	swait.ge [sflag:s3], $0xD00  }
0x5a: {  	s22 =	sadd.s32 $0xFFFFFFFF, s31;
	[sflag:s3] =	ssyncset.done $0x0  }
.LBB2_1:
0x5b: {  	p0 =	sne.s32 s22, $0x1;
	s22 =	sadd.s32 $0xFFFFFFFF, s22;
	[sflag:s3] =	ssyncadd.s32 $0xFFFFF300  }
0x5c: {  	[tilespmem:s2], [sflag:$0x3] =	stream.linear.gather [hbm4b:s4+s2], $0xD00, $0x38;
	[tilespmem:$0xEA00] =	vst v63  }
0x5d: {  	_ =	swait.ge [sflag:s3], $0xD00  }
0x5e: {  	[sflag:s3] =	ssyncset.done $0x0  }
0x5f: {  	[sflag:s3] =	ssyncadd.s32 $0xFFFFF300  }
0x60: {  	[tilespmem:s6], [sflag:$0x1] =	stream.indirect.gather [hbm4b:s5+s6], $0x10, s2, s6, $0xb8;
	[tilespmem:$0xEA00] =	vst v63  }
0x61: {  	_ = 	snop  }
0x62: {  	[tilespmem:s8], [sflag:$0x2] =	stream.indirect.gather [hbm4b:s7+s6], $0x1, s2, s6, $0xb8;
	[tilespmem:$0xEA00] =	vst v63  }
0x63: {  	_ =	swait.ge [sflag:s9], $0xD000  }
0x64: {  	[sflag:s9] =	ssyncset.done $0x0  }
0x65: {  	[sflag:s9] =	ssyncadd.s32 $0xFFFF3000  }
0x66: {  	_ =	swait.ge [sflag:s10], $0xD00  }
0x67: {  	[sflag:s10] =	ssyncset.done $0x0  }
0x68: {  	[sflag:s10] =	ssyncadd.s32 $0xFFFFF300  }
0x69: {  	[hbm4b:s11+s2] =	stream.linear.scatter [tilespmem:s6], [sflag:$0x3], $0xD000, $0x38;
	[tilespmem:$0xEA00] =	vst v63  }
0x6a: {  	_ =	swait.ge [sflag:s3], $0xD000  }
0x6b: {  	[sflag:s3] =	ssyncset.done $0x0  }
0x6c: {  	[sflag:s3] =	ssyncadd.s32 $0xFFFF3000  }
0x6d: {  	[hbm4b:s12+s2] =	stream.linear.scatter [tilespmem:s8], [sflag:$0x3], $0xD00, $0x38;
	[tilespmem:$0xEA00] =	vst v63  }
0x6e: {  	_ =	swait.ge [sflag:s3], $0xD00  }
0x6f: {  	[sflag:s3] =	ssyncset.done $0x0  }
0x70: {  	[sflag:s3] =	ssyncadd.s32 $0xFFFFF300  }
0x71: {  	[tilespmem:s2], [sflag:$0x3] =	stream.linear.gather [hbm4b:s13+s2], $0xD00, $0x38;
	[tilespmem:$0xEA00] =	vst v63  }
0x72: {  	_ =	swait.ge [sflag:s3], $0xD00  }
0x73: {  	[sflag:s3] =	ssyncset.done $0x0  }
0x74: {  	[sflag:s3] =	ssyncadd.s32 $0xFFFFF300  }
0x75: {  	[tilespmem:s6], [sflag:$0x1] =	stream.indirect.gather [hbm4b:s5+s6], $0x10, s2, s6, $0xb8;
	[tilespmem:$0xEA00] =	vst v63  }
0x76: {  	_ = 	snop  }
0x77: {  	[tilespmem:s8], [sflag:$0x2] =	stream.indirect.gather [hbm4b:s7+s6], $0x1, s2, s6, $0xb8;
	[tilespmem:$0xEA00] =	vst v63  }
0x78: {  	_ =	swait.ge [sflag:s9], $0xD000  }
0x79: {  	[sflag:s9] =	ssyncset.done $0x0  }
0x7a: {  	[sflag:s9] =	ssyncadd.s32 $0xFFFF3000  }
0x7b: {  	_ =	swait.ge [sflag:s10], $0xD00  }
0x7c: {  	[sflag:s10] =	ssyncset.done $0x0  }
0x7d: {  	[sflag:s10] =	ssyncadd.s32 $0xFFFFF300  }
0x7e: {  	[hbm4b:s14+s2] =	stream.linear.scatter [tilespmem:s6], [sflag:$0x3], $0xD000, $0x38;
	[tilespmem:$0xEA00] =	vst v63  }
0x7f: {  	_ =	swait.ge [sflag:s3], $0xD000  }
0x80: {  	[sflag:s3] =	ssyncset.done $0x0  }
0x81: {  	[sflag:s3] =	ssyncadd.s32 $0xFFFF3000  }
0x82: {  	[hbm4b:s15+s2] =	stream.linear.scatter [tilespmem:s8], [sflag:$0x3], $0xD00, $0x38;
	[tilespmem:$0xEA00] =	vst v63  }
0x83: {  	_ =	swait.ge [sflag:s3], $0xD00  }
0x84: {  	[sflag:s3] =	ssyncset.done $0x0  }
0x85: {  	[sflag:s3] =	ssyncadd.s32 $0xFFFFF300  }
0x86: {  	[tilespmem:s2], [sflag:$0x3] =	stream.linear.gather [hbm4b:s16+s2], $0xD00, $0x38;
	[tilespmem:$0xEA00] =	vst v63  }
0x87: {  	_ =	swait.ge [sflag:s3], $0xD00  }
0x88: {  	[sflag:s3] =	ssyncset.done $0x0  }
0x89: {  	[sflag:s3] =	ssyncadd.s32 $0xFFFFF300  }
0x8a: {  	[tilespmem:s6], [sflag:$0x1] =	stream.indirect.gather [hbm4b:s5+s6], $0x10, s2, s6, $0xb8;
	[tilespmem:$0xEA00] =	vst v63  }
0x8b: {  	_ = 	snop  }
0x8c: {  	[tilespmem:s8], [sflag:$0x2] =	stream.indirect.gather [hbm4b:s7+s6], $0x1, s2, s6, $0xb8;
	[tilespmem:$0xEA00] =	vst v63  }
0x8d: {  	_ =	swait.ge [sflag:s9], $0xD000  }
0x8e: {  	[sflag:s9] =	ssyncset.done $0x0  }
0x8f: {  	[sflag:s9] =	ssyncadd.s32 $0xFFFF3000  }
0x90: {  	_ =	swait.ge [sflag:s10], $0xD00  }
0x91: {  	[sflag:s10] =	ssyncset.done $0x0  }
0x92: {  	[sflag:s10] =	ssyncadd.s32 $0xFFFFF300  }
0x93: {  	[hbm4b:s17+s2] =	stream.linear.scatter [tilespmem:s6], [sflag:$0x3], $0xD000, $0x38;
	[tilespmem:$0xEA00] =	vst v63  }
0x94: {  	_ =	swait.ge [sflag:s3], $0xD000  }
0x95: {  	[sflag:s3] =	ssyncset.done $0x0  }
0x96: {  	[sflag:s3] =	ssyncadd.s32 $0xFFFF3000  }
0x97: {  	[hbm4b:s18+s2] =	stream.linear.scatter [tilespmem:s8], [sflag:$0x3], $0xD00, $0x38;
	[tilespmem:$0xEA00] =	vst v63  }
0x98: {  	_ =	swait.ge [sflag:s3], $0xD00  }
0x99: {  	[sflag:s3] =	ssyncset.done $0x0  }
0x9a: {  	[sflag:s3] =	ssyncadd.s32 $0xFFFFF300  }
0x9b: {  	[tilespmem:s2], [sflag:$0x3] =	stream.linear.gather [hbm4b:s19+s2], $0xD00, $0x38;
	[tilespmem:$0xEA00] =	vst v63  }
0x9c: {  	_ =	swait.ge [sflag:s3], $0xD00  }
0x9d: {  	[sflag:s3] =	ssyncset.done $0x0  }
0x9e: {  	[sflag:s3] =	ssyncadd.s32 $0xFFFFF300  }
0x9f: {  	[tilespmem:s6], [sflag:$0x1] =	stream.indirect.gather [hbm4b:s5+s6], $0x10, s2, s6, $0xb8;
	[tilespmem:$0xEA00] =	vst v63  }
0xa0: {  	_ = 	snop  }
0xa1: {  	[tilespmem:s8], [sflag:$0x2] =	stream.indirect.gather [hbm4b:s7+s6], $0x1, s2, s6, $0xb8;
	[tilespmem:$0xEA00] =	vst v63  }
0xa2: {  	_ =	swait.ge [sflag:s9], $0xD000  }
0xa3: {  	[sflag:s9] =	ssyncset.done $0x0  }
0xa4: {  	[sflag:s9] =	ssyncadd.s32 $0xFFFF3000  }
0xa5: {  	_ =	swait.ge [sflag:s10], $0xD00  }
0xa6: {  	[sflag:s10] =	ssyncset.done $0x0  }
0xa7: {  	[sflag:s10] =	ssyncadd.s32 $0xFFFFF300  }
0xa8: {  	[hbm4b:s20+s2] =	stream.linear.scatter [tilespmem:s6], [sflag:$0x3], $0xD000, $0x38;
	[tilespmem:$0xEA00] =	vst v63  }
0xa9: {  	_ =	swait.ge [sflag:s3], $0xD000  }
.Ltmp1:
0xaa: {  	[sflag:s3] =	ssyncset.done $0x0;
	(pc) =	sbr.rel @p0 .LBB2_1-.Ltmp1, $4  }
0xab: {  	[sflag:s3] =	ssyncadd.s32 $0xFFFF3000  }
0xac: {  	[hbm4b:s21+s2] =	stream.linear.scatter [tilespmem:s8], [sflag:$0x3], $0xD00, $0x38;
	[tilespmem:$0xEA00] =	vst v63  }
0xad: {  	_ =	swait.ge [sflag:s3], $0xD00  }
0xae: {  	[sflag:s3] =	ssyncset.done $0x0  }
.LBB2_2:
0xaf: {  	[sflag:s3] =	ssyncadd.s32 $0xFFFFF300  }
0xb0: {  	_ =	sfence.sel $0x180000  }
0xb1: {  	[bflag:$0x0] =	sbarrier.arrive $0xFFFF  }
0xb2: {  	p0 =	sne.s32 s0, $0x0;
	_ =	strace $0x90000047  }
0xb3: {  	s0 =	sadd.s32 @!p0 $0x100000, s1;
	[bflag:$0x2] =	sbarrier.arrive $0xFFFF  }
0xb4: {  	[sflag:s0] =	ssyncadd.tile.s32 @!p0 $0x1;
	_ =	shalt  }
.Lfunc_end2:
_tile_overlayer_lowered:
.L_overlay_start_2:
0xb5: {  	(tag) =	ssettag $0x2  }
0xb6: {  	s0 =	rddreg [dreg:$0x0];
	s2 =	stileid.u32  }
0xb7: {  	s1 =	rddreg [dreg:$0x1];
	p0 =	sne.s32 s2, $0x0  }
0xb8: {  	s3 =	rddreg [dreg:$0x2];
	[bflag:$0x3] =	sbarrier.arrive $0xFFFF;
	s2 =	simm.s32 @!p0 $0x1C03  }
0xb9: {  	[timem:s3], [sflag:s2] =	dma.local @!p0 [hbm:s0], s1  }
0xba: {  	s0 =	simm.s32 @!p0 $0x3  }
0xbb: {  	_ =	swait.ge @!p0 [sflag:s0], s1  }
0xbc: {  	s1 =	ssub.s32 @!p0 $0x0, s1;
	[sflag:s0] =	ssyncset.done @!p0 $0x0  }
0xbd: {  	[sflag:s0] =	ssyncadd.s32 @!p0 s1  }
0xbe: {  	[bflag:$0x3] =	sbarrier.arrive $0xFFFF  }
0xbf: {  	_ =	shalt  }

</sc_bundles>
